<compile_context>
chip_gen: v7x
topology: tpu7x:2x2x1
jax: 0.10.2.dev20260603
libtpu: 0.0.44.dev20260713+nightly
codegen_flags: <defaults>
</compile_context>

<pallas_src>
import functools

import jax
import jax.numpy as jnp
from jax import lax
from jax.experimental import pallas as pl
from jax.experimental.pallas import tpu as pltpu
from jax.experimental.pallas import tpu_sc as plsc

_B = 1024
_S = 520
_EMB = 128
_NC, _NS = 2, 16
_NW = _NC * _NS
_BPW = _B // _NW
_C = 104
_CPE = _S // _C
_NCHUNKS = _BPW * _CPE
_GR = 8
_NG = _C // _GR
_NV = _EMB // 16
_RING = 4
_OW = 16


def _sc_logreg(idx_flat, table, wtb):
    mesh = plsc.VectorSubcoreMesh(
        core_axis_name="c", subcore_axis_name="s",
        num_cores=_NC, num_subcores=_NS)

    @functools.partial(
        pl.kernel,
        out_type=jax.ShapeDtypeStruct((_B * _OW,), jnp.float32),
        mesh=mesh,
        scratch_types=[
            pltpu.VMEM((_BPW * _S,), jnp.int32),
            pltpu.VMEM((_RING, _C, _EMB), jnp.float32),
            pltpu.VMEM((_BPW * _OW,), jnp.float32),
            pltpu.VMEM((528,), jnp.float32),
            pltpu.SemaphoreType.DMA,
            pltpu.SemaphoreType.DMA,
            pltpu.SemaphoreType.DMA,
            pltpu.SemaphoreType.DMA,
        ],
    )
    def k(idx_hbm, table_hbm, wtb_hbm, out_hbm, idx_v, rows_v, out_v, w_v,
          sem0, sem1, sem2, sem3):
        wid = lax.axis_index("s") * _NC + lax.axis_index("c")
        base_e = wid * _BPW
        sems = [sem0, sem1, sem2, sem3]

        dn = lax.GatherDimensionNumbers(
            offset_dims=(), collapsed_slice_dims=(0,), start_index_map=(0,))
        bfly_idx = [(lax.iota(jnp.int32, 16) ^ s).reshape(16, 1)
                    for s in (1, 2, 4, 8)]

        def lanesum(v):
            for idx in bfly_idx:
                v = v + lax.gather(
                    v, idx, dn, slice_sizes=(1,),
                    mode=lax.GatherScatterMode.PROMISE_IN_BOUNDS)
            return v

        pltpu.sync_copy(idx_hbm.at[pl.ds(base_e * _S, _BPW * _S)], idx_v)
        pltpu.sync_copy(wtb_hbm, w_v)

        def dma(kc, buf):
            return pltpu.make_async_copy(
                table_hbm.at[idx_v.at[pl.ds(kc * _C, _C)]],
                rows_v.at[buf], sems[buf])

        for p in range(_RING - 1):
            dma(p, p).start()

        iota = lax.iota(jnp.int32, 16)

        def body_k(kc, carry):
            accs, bests, bestn = carry
            par = lax.rem(kc, _RING)
            for b in range(_RING):
                @pl.when(par == b)
                def _():
                    dma(kc, b).wait()

                @pl.when(jnp.logical_and(par == b,
                                         kc + _RING - 1 < _NCHUNKS))
                def _():
                    dma(kc + _RING - 1, (b + _RING - 1) % _RING).start()

            first = lax.rem(kc, _CPE) == 0
            keep = jnp.where(first, 0.0, 1.0)
            accs = tuple(a * keep for a in accs)
            bestn = bestn * keep - (1.0 - keep)

            rv = rows_v.at[par]

            def grp(g, carry):
                accs, bests, bestn = carry
                for r8 in range(_GR):
                    row = g * _GR + r8
                    regs = [rv[row, pl.ds(16 * j, 16)] for j in range(_NV)]
                    sq = regs[0] * regs[0]
                    for j in range(1, _NV):
                        sq = sq + regs[j] * regs[j]
                    nv = lanesum(sq)
                    m = nv > bestn
                    accs = tuple(a + r for a, r in zip(accs, regs))
                    bests = tuple(jnp.where(m, r, bb)
                                  for bb, r in zip(bests, regs))
                    bestn = jnp.maximum(nv, bestn)
                return accs, bests, bestn

            accs, bests, bestn = lax.fori_loop(
                0, _NG, grp, (accs, bests, bestn))

            @pl.when(lax.rem(kc, _CPE) == _CPE - 1)
            def _():
                e = kc // _CPE
                logits = []
                for c in range(2):
                    t = accs[0] * w_v[pl.ds(c * 256, 16)]
                    for j in range(1, _NV):
                        t = t + accs[j] * w_v[pl.ds(c * 256 + 16 * j, 16)]
                    for j in range(_NV):
                        t = t + bests[j] * w_v[pl.ds(c * 256 + 128 + 16 * j,
                                                     16)]
                    logits.append(lanesum(t))
                bv = w_v[pl.ds(512, 16)]
                o = jnp.where(iota == 0, logits[0],
                              jnp.where(iota == 1, logits[1],
                                        jnp.zeros((16,), jnp.float32)))
                out_v[pl.ds(e * _OW, 16)] = o + bv
            return accs, bests, bestn

        zero = jnp.zeros((16,), jnp.float32)
        init = (tuple(zero for _ in range(_NV)),
                tuple(zero for _ in range(_NV)),
                jnp.full((16,), -1.0, jnp.float32))
        lax.fori_loop(0, _NCHUNKS, body_k, init)
        pltpu.sync_copy(out_v, out_hbm.at[pl.ds(base_e * _OW, _BPW * _OW)])

    return k(idx_flat, table, wtb)


def kernel(indices, embedding_matrix, W, b):
    idx_flat = indices.reshape(-1)
    ws = jnp.concatenate([W[:_EMB] * (1.0 / _S), W[_EMB:]], axis=0)
    wtb = jnp.concatenate(
        [ws.T.reshape(-1), b, jnp.zeros((14,), jnp.float32)])
    out = _sc_logreg(idx_flat, embedding_matrix, wtb)
    return out.reshape(_B, _OW)[:, : W.shape[1]]

# --- scband reference (transcript-rebuilt; emitter-appended) ---
"""Pipeline reference for scband-log-reg-15719580304454 (READ-ONLY COPY).

The authoritative reference and input builder live on the scoring server;
editing this copy changes nothing except your own understanding.
"""

import jax, jax.numpy as jnp
import numpy as np

VOCAB = 100000
EMB = 128
NUM_CLASSES = 2
B, S1, S2 = 1024, 26, 20


def setup_inputs(seed: int = 0) -> dict:
    key = jax.random.key(seed)
    k1, k2, k3 = jax.random.split(key, 3)
    indices = jax.random.randint(k1, (B, S1, S2), 0, VOCAB, dtype=jnp.int32)
    embedding_matrix = jax.random.normal(k2, (VOCAB, EMB), dtype=jnp.float32)
    W = jax.random.normal(k3, (2 * EMB, NUM_CLASSES), dtype=jnp.float32) * 0.02
    b = jnp.zeros((NUM_CLASSES,), dtype=jnp.float32)
    return {"indices": indices, "embedding_matrix": embedding_matrix, "W": W, "b": b}


def reference(indices, embedding_matrix, W, b):
    # embedding lookup: [B, S1, S2, EMB]
    embedded = jnp.take(embedding_matrix, indices, axis=0)
    # mean over axis 2 then axis 1 -> [B, EMB]
    mean_vector = jnp.mean(jnp.mean(embedded, axis=2), axis=1)
    # flatten token dims: [B, S1*S2, EMB]
    flat = embedded.reshape(embedded.shape[0], embedded.shape[1] * embedded.shape[2], embedded.shape[3])
    # per-token L2 norm: [B, S1*S2]
    l2 = jnp.linalg.norm(flat, axis=2)
    # argmax over tokens, gather max-norm embedding per example (gather_nd equivalent)
    max_loc = jnp.argmax(l2, axis=1)
    max_vector = jnp.take_along_axis(flat, max_loc[:, None, None], axis=1)[:, 0, :]
    # concat and dense head
    input_vector = jnp.concatenate([mean_vector, max_vector], axis=1)
    logits = input_vector @ W + b
    return logits

if __name__ == "__main__":
    import jax
    _d = setup_inputs()
    print(jax.jit(kernel)(*tuple(_d.values())))

</pallas_src>

<mosaic_0001>
#map = affine_map<(d0, d1) -> (0)>
#map1 = affine_map<(d0, d1) -> (0, 0)>
module attributes {stable_mosaic.version = 14 : i64} {
  func.func @k(%arg0: i32, %arg1: i32, %arg2: memref<532480xi32, #tpu.memory_space<hbm>>, %arg3: memref<100000x128xf32, #tpu.memory_space<hbm>>, %arg4: memref<528xf32, #tpu.memory_space<hbm>>, %arg5: memref<16384xf32, #tpu.memory_space<hbm>>, %arg6: memref<16640xi32, #tpu.memory_space<vmem>>, %arg7: memref<4x104x128xf32, #tpu.memory_space<vmem>>, %arg8: memref<512xf32, #tpu.memory_space<vmem>>, %arg9: memref<528xf32, #tpu.memory_space<vmem>>, %arg10: memref<!tpu.dma_semaphore, #tpu.memory_space<semaphore_mem>>, %arg11: memref<!tpu.dma_semaphore, #tpu.memory_space<semaphore_mem>>, %arg12: memref<!tpu.dma_semaphore, #tpu.memory_space<semaphore_mem>>, %arg13: memref<!tpu.dma_semaphore, #tpu.memory_space<semaphore_mem>>) attributes {dimension_semantics = [#tpu.dimension_semantics<core_parallel>, #tpu.dimension_semantics<subcore_parallel>], iteration_bounds = array<i64: 2, 16>, scalar_prefetch = 0 : i64, scratch_operands = 8 : i64, tpu.core_type = #tpu.core_type<sc_vector_subcore>, window_params = [{transform_indices = #map}, {transform_indices = #map1}, {transform_indices = #map}, {transform_indices = #map}]} {
    %mul3A = arith.constant 2 : i32
    %mul3A_0 = arith.muli %arg1, %mul3A : i32
    %add3A = arith.addi %mul3A_0, %arg0 : i32
    %mul3A_1 = arith.constant 32 : i32
    %mul3A_2 = arith.muli %add3A, %mul3A_1 : i32
    %iota3A = tpu.iota {dimensions = array<i32: 0>} : vector<16xi32>
    %xor3A = arith.constant 1 : i32
    %xor3A_3 = vector.broadcast %xor3A : i32 to vector<16xi32>
    %xor3A_4 = arith.xori %iota3A, %xor3A_3 : vector<16xi32>
    %reshape3A = vector.shape_cast %xor3A_4 : vector<16xi32> to vector<16x1xi32>
    %iota3A_5 = tpu.iota {dimensions = array<i32: 0>} : vector<16xi32>
    %xor3A_6 = arith.constant 2 : i32
    %xor3A_7 = vector.broadcast %xor3A_6 : i32 to vector<16xi32>
    %xor3A_8 = arith.xori %iota3A_5, %xor3A_7 : vector<16xi32>
    %reshape3A_9 = vector.shape_cast %xor3A_8 : vector<16xi32> to vector<16x1xi32>
    %iota3A_10 = tpu.iota {dimensions = array<i32: 0>} : vector<16xi32>
    %xor3A_11 = arith.constant 4 : i32
    %xor3A_12 = vector.broadcast %xor3A_11 : i32 to vector<16xi32>
    %xor3A_13 = arith.xori %iota3A_10, %xor3A_12 : vector<16xi32>
    %reshape3A_14 = vector.shape_cast %xor3A_13 : vector<16xi32> to vector<16x1xi32>
    %iota3A_15 = tpu.iota {dimensions = array<i32: 0>} : vector<16xi32>
    %xor3A_16 = arith.constant 8 : i32
    %xor3A_17 = vector.broadcast %xor3A_16 : i32 to vector<16xi32>
    %xor3A_18 = arith.xori %iota3A_15, %xor3A_17 : vector<16xi32>
    %reshape3A_19 = vector.shape_cast %xor3A_18 : vector<16xi32> to vector<16x1xi32>
    %mul3A_20 = arith.constant 520 : i32
    %mul3A_21 = arith.muli %mul3A_2, %mul3A_20 : i32
    "tpu.region"() ({
      %run_scoped3A = tpu.sem_alloc : memref<!tpu.dma_semaphore, #tpu.memory_space<semaphore_mem>>
      %dma_start3A_62 = tpu.memref_slice %arg2[%mul3A_21] : memref<532480xi32, #tpu.memory_space<hbm>> -> memref<16640xi32, #tpu.memory_space<hbm>>
      %dma_start3A_63 = tpu.memref_slice %arg2[%mul3A_21] : memref<532480xi32, #tpu.memory_space<hbm>> -> memref<16640xi32, #tpu.memory_space<hbm>>
      tpu.enqueue_dma source(%dma_start3A_63 : memref<16640xi32, #tpu.memory_space<hbm>>) target(%arg6 : memref<16640xi32, #tpu.memory_space<vmem>>) target_semaphore(%run_scoped3A : memref<!tpu.dma_semaphore, #tpu.memory_space<semaphore_mem>>)
      %dma_wait3A = tpu.memref_slice %arg2[%mul3A_21] : memref<532480xi32, #tpu.memory_space<hbm>> -> memref<16640xi32, #tpu.memory_space<hbm>>
      %dma_wait3A_64 = tpu.memref_slice %arg2[%mul3A_21] : memref<532480xi32, #tpu.memory_space<hbm>> -> memref<16640xi32, #tpu.memory_space<hbm>>
      tpu.wait_dma2 semaphore(%run_scoped3A : memref<!tpu.dma_semaphore, #tpu.memory_space<semaphore_mem>>) src(%dma_wait3A_64 : memref<16640xi32, #tpu.memory_space<hbm>>) dst(%arg6 : memref<16640xi32, #tpu.memory_space<vmem>>)
      tpu.yield
    }) : () -> ()
    "tpu.region"() ({
      %run_scoped3A = tpu.sem_alloc : memref<!tpu.dma_semaphore, #tpu.memory_space<semaphore_mem>>
      tpu.enqueue_dma source(%arg4 : memref<528xf32, #tpu.memory_space<hbm>>) target(%arg9 : memref<528xf32, #tpu.memory_space<vmem>>) target_semaphore(%run_scoped3A : memref<!tpu.dma_semaphore, #tpu.memory_space<semaphore_mem>>)
      tpu.wait_dma2 semaphore(%run_scoped3A : memref<!tpu.dma_semaphore, #tpu.memory_space<semaphore_mem>>) src(%arg4 : memref<528xf32, #tpu.memory_space<hbm>>) dst(%arg9 : memref<528xf32, #tpu.memory_space<vmem>>)
      tpu.yield
    }) : () -> ()
    %dma_start3A = arith.constant 0 : i32
    %dma_start3A_22 = arith.constant 0 : i32
    %dma_start3A_23 = arith.constant 0 : i32
    %dma_start3A_24 = tpu.memref_slice %arg7[%dma_start3A, %dma_start3A_22, %dma_start3A_23] : memref<4x104x128xf32, #tpu.memory_space<vmem>> -> memref<1x104x128xf32, #tpu.memory_space<vmem>>
    %dma_start3A_25 = tpu.memref_squeeze %dma_start3A_24 : memref<1x104x128xf32, #tpu.memory_space<vmem>> -> memref<104x128xf32, #tpu.memory_space<vmem>>
    %dma_start3A_26 = arith.constant 0 : i32
    %dma_start3A_27 = tpu.memref_slice %arg6[%dma_start3A_26] : memref<16640xi32, #tpu.memory_space<vmem>> -> memref<104xi32, #tpu.memory_space<vmem>>
    %dma_start3A_28 = arith.constant 0 : i32
    %dma_start3A_29 = arith.constant 0 : i32
    %dma_start3A_30 = tpu.memref_slice %arg3[%dma_start3A_28, %dma_start3A_29] : memref<100000x128xf32, #tpu.memory_space<hbm>> -> memref<100000x128xf32, #tpu.memory_space<hbm>>
    tpu.enqueue_indirect_dma source(%dma_start3A_30 : memref<100000x128xf32, #tpu.memory_space<hbm>>) target(%dma_start3A_25 : memref<104x128xf32, #tpu.memory_space<vmem>>) offsets(%dma_start3A_27 : memref<104xi32, #tpu.memory_space<vmem>>) semaphore(%arg10 : memref<!tpu.dma_semaphore, #tpu.memory_space<semaphore_mem>>)
    %dma_start3A_31 = arith.constant 1 : i32
    %dma_start3A_32 = arith.constant 0 : i32
    %dma_start3A_33 = arith.constant 0 : i32
    %dma_start3A_34 = tpu.memref_slice %arg7[%dma_start3A_31, %dma_start3A_32, %dma_start3A_33] : memref<4x104x128xf32, #tpu.memory_space<vmem>> -> memref<1x104x128xf32, #tpu.memory_space<vmem>>
    %dma_start3A_35 = tpu.memref_squeeze %dma_start3A_34 : memref<1x104x128xf32, #tpu.memory_space<vmem>> -> memref<104x128xf32, #tpu.memory_space<vmem>>
    %dma_start3A_36 = arith.constant 104 : i32
    %dma_start3A_37 = tpu.memref_slice %arg6[%dma_start3A_36] : memref<16640xi32, #tpu.memory_space<vmem>> -> memref<104xi32, #tpu.memory_space<vmem>>
    %dma_start3A_38 = arith.constant 0 : i32
    %dma_start3A_39 = arith.constant 0 : i32
    %dma_start3A_40 = tpu.memref_slice %arg3[%dma_start3A_38, %dma_start3A_39] : memref<100000x128xf32, #tpu.memory_space<hbm>> -> memref<100000x128xf32, #tpu.memory_space<hbm>>
    tpu.enqueue_indirect_dma source(%dma_start3A_40 : memref<100000x128xf32, #tpu.memory_space<hbm>>) target(%dma_start3A_35 : memref<104x128xf32, #tpu.memory_space<vmem>>) offsets(%dma_start3A_37 : memref<104xi32, #tpu.memory_space<vmem>>) semaphore(%arg11 : memref<!tpu.dma_semaphore, #tpu.memory_space<semaphore_mem>>)
    %dma_start3A_41 = arith.constant 2 : i32
    %dma_start3A_42 = arith.constant 0 : i32
    %dma_start3A_43 = arith.constant 0 : i32
    %dma_start3A_44 = tpu.memref_slice %arg7[%dma_start3A_41, %dma_start3A_42, %dma_start3A_43] : memref<4x104x128xf32, #tpu.memory_space<vmem>> -> memref<1x104x128xf32, #tpu.memory_space<vmem>>
    %dma_start3A_45 = tpu.memref_squeeze %dma_start3A_44 : memref<1x104x128xf32, #tpu.memory_space<vmem>> -> memref<104x128xf32, #tpu.memory_space<vmem>>
    %dma_start3A_46 = arith.constant 208 : i32
    %dma_start3A_47 = tpu.memref_slice %arg6[%dma_start3A_46] : memref<16640xi32, #tpu.memory_space<vmem>> -> memref<104xi32, #tpu.memory_space<vmem>>
    %dma_start3A_48 = arith.constant 0 : i32
    %dma_start3A_49 = arith.constant 0 : i32
    %dma_start3A_50 = tpu.memref_slice %arg3[%dma_start3A_48, %dma_start3A_49] : memref<100000x128xf32, #tpu.memory_space<hbm>> -> memref<100000x128xf32, #tpu.memory_space<hbm>>
    tpu.enqueue_indirect_dma source(%dma_start3A_50 : memref<100000x128xf32, #tpu.memory_space<hbm>>) target(%dma_start3A_45 : memref<104x128xf32, #tpu.memory_space<vmem>>) offsets(%dma_start3A_47 : memref<104xi32, #tpu.memory_space<vmem>>) semaphore(%arg12 : memref<!tpu.dma_semaphore, #tpu.memory_space<semaphore_mem>>)
    %iota3A_51 = tpu.iota {dimensions = array<i32: 0>} : vector<16xi32>
    %broadcast_in_dim3A = arith.constant 0.000000e+00 : f32
    %broadcast_in_dim3A_52 = vector.broadcast %broadcast_in_dim3A : f32 to vector<16xf32>
    %broadcast_in_dim3A_53 = arith.constant -1.000000e+00 : f32
    %broadcast_in_dim3A_54 = vector.broadcast %broadcast_in_dim3A_53 : f32 to vector<16xf32>
    %scan3A = arith.constant 0 : i32
    %scan3A_55 = arith.constant 160 : i32
    %scan3A_56 = arith.addi %scan3A, %scan3A_55 : i32
    %scan3A_57 = arith.constant 1 : i32
    %scan3A_58:17 = scf.for %scan3A_62 = %scan3A to %scan3A_56 step %scan3A_57 iter_args(%scan3A_63 = %broadcast_in_dim3A_52, %scan3A_64 = %broadcast_in_dim3A_52, %scan3A_65 = %broadcast_in_dim3A_52, %scan3A_66 = %broadcast_in_dim3A_52, %scan3A_67 = %broadcast_in_dim3A_52, %scan3A_68 = %broadcast_in_dim3A_52, %scan3A_69 = %broadcast_in_dim3A_52, %scan3A_70 = %broadcast_in_dim3A_52, %scan3A_71 = %broadcast_in_dim3A_52, %scan3A_72 = %broadcast_in_dim3A_52, %scan3A_73 = %broadcast_in_dim3A_52, %scan3A_74 = %broadcast_in_dim3A_52, %scan3A_75 = %broadcast_in_dim3A_52, %scan3A_76 = %broadcast_in_dim3A_52, %scan3A_77 = %broadcast_in_dim3A_52, %scan3A_78 = %broadcast_in_dim3A_52, %scan3A_79 = %broadcast_in_dim3A_54) -> (vector<16xf32>, vector<16xf32>, vector<16xf32>, vector<16xf32>, vector<16xf32>, vector<16xf32>, vector<16xf32>, vector<16xf32>, vector<16xf32>, vector<16xf32>, vector<16xf32>, vector<16xf32>, vector<16xf32>, vector<16xf32>, vector<16xf32>, vector<16xf32>, vector<16xf32>)  : i32 {
      %rem3A = arith.constant 4 : i32
      %rem3A_80 = arith.remsi %scan3A_62, %rem3A : i32
      %eq3A = arith.constant 0 : i32
      %eq3A_81 = arith.cmpi eq, %rem3A_80, %eq3A : i32
      %convert_element_type3A = arith.extui %eq3A_81 : i1 to i32
      %cond3A = arith.constant 0 : i32
      %cond3A_82 = arith.cmpi ne, %convert_element_type3A, %cond3A : i32
      scf.if %cond3A_82 {
        %mul3A_183 = arith.constant 104 : i32
        %mul3A_184 = arith.muli %scan3A_62, %mul3A_183 : i32
        %dma_wait3A = arith.constant 0 : i32
        %dma_wait3A_185 = arith.constant 0 : i32
        %dma_wait3A_186 = arith.constant 0 : i32
        %dma_wait3A_187 = tpu.memref_slice %arg7[%dma_wait3A, %dma_wait3A_185, %dma_wait3A_186] : memref<4x104x128xf32, #tpu.memory_space<vmem>> -> memref<1x104x128xf32, #tpu.memory_space<vmem>>
        %dma_wait3A_188 = tpu.memref_squeeze %dma_wait3A_187 : memref<1x104x128xf32, #tpu.memory_space<vmem>> -> memref<104x128xf32, #tpu.memory_space<vmem>>
        %dma_wait3A_189 = tpu.memref_slice %arg6[%mul3A_184] : memref<16640xi32, #tpu.memory_space<vmem>> -> memref<104xi32, #tpu.memory_space<vmem>>
        %dma_wait3A_190 = arith.constant 0 : i32
        %dma_wait3A_191 = arith.constant 0 : i32
        %dma_wait3A_192 = tpu.memref_slice %arg3[%dma_wait3A_190, %dma_wait3A_191] : memref<100000x128xf32, #tpu.memory_space<hbm>> -> memref<100000x128xf32, #tpu.memory_space<hbm>>
        tpu.wait_indirect_dma semaphore(%arg10 : memref<!tpu.dma_semaphore, #tpu.memory_space<semaphore_mem>>) src(%dma_wait3A_192 : memref<100000x128xf32, #tpu.memory_space<hbm>>) dst(%dma_wait3A_188 : memref<104x128xf32, #tpu.memory_space<vmem>>)
      } else {
      }
      %eq3A_83 = arith.constant 0 : i32
      %eq3A_84 = arith.cmpi eq, %rem3A_80, %eq3A_83 : i32
      %add3A_85 = arith.constant 4 : i32
      %add3A_86 = arith.addi %scan3A_62, %add3A_85 : i32
      %sub3A = arith.constant 1 : i32
      %sub3A_87 = arith.subi %add3A_86, %sub3A : i32
      %lt3A = arith.constant 160 : i32
      %lt3A_88 = arith.cmpi slt, %sub3A_87, %lt3A : i32
      %and3A = arith.andi %eq3A_84, %lt3A_88 : i1
      %convert_element_type3A_89 = arith.extui %and3A : i1 to i32
      %cond3A_90 = arith.constant 0 : i32
      %cond3A_91 = arith.cmpi ne, %convert_element_type3A_89, %cond3A_90 : i32
      scf.if %cond3A_91 {
        %add3A_183 = arith.constant 4 : i32
        %add3A_184 = arith.addi %scan3A_62, %add3A_183 : i32
        %sub3A_185 = arith.constant 1 : i32
        %sub3A_186 = arith.subi %add3A_184, %sub3A_185 : i32
        %mul3A_187 = arith.constant 104 : i32
        %mul3A_188 = arith.muli %sub3A_186, %mul3A_187 : i32
        %dma_start3A_189 = arith.constant 3 : i32
        %dma_start3A_190 = arith.constant 0 : i32
        %dma_start3A_191 = arith.constant 0 : i32
        %dma_start3A_192 = tpu.memref_slice %arg7[%dma_start3A_189, %dma_start3A_190, %dma_start3A_191] : memref<4x104x128xf32, #tpu.memory_space<vmem>> -> memref<1x104x128xf32, #tpu.memory_space<vmem>>
        %dma_start3A_193 = tpu.memref_squeeze %dma_start3A_192 : memref<1x104x128xf32, #tpu.memory_space<vmem>> -> memref<104x128xf32, #tpu.memory_space<vmem>>
        %dma_start3A_194 = tpu.memref_slice %arg6[%mul3A_188] : memref<16640xi32, #tpu.memory_space<vmem>> -> memref<104xi32, #tpu.memory_space<vmem>>
        %dma_start3A_195 = arith.constant 0 : i32
        %dma_start3A_196 = arith.constant 0 : i32
        %dma_start3A_197 = tpu.memref_slice %arg3[%dma_start3A_195, %dma_start3A_196] : memref<100000x128xf32, #tpu.memory_space<hbm>> -> memref<100000x128xf32, #tpu.memory_space<hbm>>
        tpu.enqueue_indirect_dma source(%dma_start3A_197 : memref<100000x128xf32, #tpu.memory_space<hbm>>) target(%dma_start3A_193 : memref<104x128xf32, #tpu.memory_space<vmem>>) offsets(%dma_start3A_194 : memref<104xi32, #tpu.memory_space<vmem>>) semaphore(%arg13 : memref<!tpu.dma_semaphore, #tpu.memory_space<semaphore_mem>>)
      } else {
      }
      %eq3A_92 = arith.constant 1 : i32
      %eq3A_93 = arith.cmpi eq, %rem3A_80, %eq3A_92 : i32
      %convert_element_type3A_94 = arith.extui %eq3A_93 : i1 to i32
      %cond3A_95 = arith.constant 0 : i32
      %cond3A_96 = arith.cmpi ne, %convert_element_type3A_94, %cond3A_95 : i32
      scf.if %cond3A_96 {
        %mul3A_183 = arith.constant 104 : i32
        %mul3A_184 = arith.muli %scan3A_62, %mul3A_183 : i32
        %dma_wait3A = arith.constant 1 : i32
        %dma_wait3A_185 = arith.constant 0 : i32
        %dma_wait3A_186 = arith.constant 0 : i32
        %dma_wait3A_187 = tpu.memref_slice %arg7[%dma_wait3A, %dma_wait3A_185, %dma_wait3A_186] : memref<4x104x128xf32, #tpu.memory_space<vmem>> -> memref<1x104x128xf32, #tpu.memory_space<vmem>>
        %dma_wait3A_188 = tpu.memref_squeeze %dma_wait3A_187 : memref<1x104x128xf32, #tpu.memory_space<vmem>> -> memref<104x128xf32, #tpu.memory_space<vmem>>
        %dma_wait3A_189 = tpu.memref_slice %arg6[%mul3A_184] : memref<16640xi32, #tpu.memory_space<vmem>> -> memref<104xi32, #tpu.memory_space<vmem>>
        %dma_wait3A_190 = arith.constant 0 : i32
        %dma_wait3A_191 = arith.constant 0 : i32
        %dma_wait3A_192 = tpu.memref_slice %arg3[%dma_wait3A_190, %dma_wait3A_191] : memref<100000x128xf32, #tpu.memory_space<hbm>> -> memref<100000x128xf32, #tpu.memory_space<hbm>>
        tpu.wait_indirect_dma semaphore(%arg11 : memref<!tpu.dma_semaphore, #tpu.memory_space<semaphore_mem>>) src(%dma_wait3A_192 : memref<100000x128xf32, #tpu.memory_space<hbm>>) dst(%dma_wait3A_188 : memref<104x128xf32, #tpu.memory_space<vmem>>)
      } else {
      }
      %eq3A_97 = arith.constant 1 : i32
      %eq3A_98 = arith.cmpi eq, %rem3A_80, %eq3A_97 : i32
      %add3A_99 = arith.constant 4 : i32
      %add3A_100 = arith.addi %scan3A_62, %add3A_99 : i32
      %sub3A_101 = arith.constant 1 : i32
      %sub3A_102 = arith.subi %add3A_100, %sub3A_101 : i32
      %lt3A_103 = arith.constant 160 : i32
      %lt3A_104 = arith.cmpi slt, %sub3A_102, %lt3A_103 : i32
      %and3A_105 = arith.andi %eq3A_98, %lt3A_104 : i1
      %convert_element_type3A_106 = arith.extui %and3A_105 : i1 to i32
      %cond3A_107 = arith.constant 0 : i32
      %cond3A_108 = arith.cmpi ne, %convert_element_type3A_106, %cond3A_107 : i32
      scf.if %cond3A_108 {
        %add3A_183 = arith.constant 4 : i32
        %add3A_184 = arith.addi %scan3A_62, %add3A_183 : i32
        %sub3A_185 = arith.constant 1 : i32
        %sub3A_186 = arith.subi %add3A_184, %sub3A_185 : i32
        %mul3A_187 = arith.constant 104 : i32
        %mul3A_188 = arith.muli %sub3A_186, %mul3A_187 : i32
        %dma_start3A_189 = arith.constant 0 : i32
        %dma_start3A_190 = arith.constant 0 : i32
        %dma_start3A_191 = arith.constant 0 : i32
        %dma_start3A_192 = tpu.memref_slice %arg7[%dma_start3A_189, %dma_start3A_190, %dma_start3A_191] : memref<4x104x128xf32, #tpu.memory_space<vmem>> -> memref<1x104x128xf32, #tpu.memory_space<vmem>>
        %dma_start3A_193 = tpu.memref_squeeze %dma_start3A_192 : memref<1x104x128xf32, #tpu.memory_space<vmem>> -> memref<104x128xf32, #tpu.memory_space<vmem>>
        %dma_start3A_194 = tpu.memref_slice %arg6[%mul3A_188] : memref<16640xi32, #tpu.memory_space<vmem>> -> memref<104xi32, #tpu.memory_space<vmem>>
        %dma_start3A_195 = arith.constant 0 : i32
        %dma_start3A_196 = arith.constant 0 : i32
        %dma_start3A_197 = tpu.memref_slice %arg3[%dma_start3A_195, %dma_start3A_196] : memref<100000x128xf32, #tpu.memory_space<hbm>> -> memref<100000x128xf32, #tpu.memory_space<hbm>>
        tpu.enqueue_indirect_dma source(%dma_start3A_197 : memref<100000x128xf32, #tpu.memory_space<hbm>>) target(%dma_start3A_193 : memref<104x128xf32, #tpu.memory_space<vmem>>) offsets(%dma_start3A_194 : memref<104xi32, #tpu.memory_space<vmem>>) semaphore(%arg10 : memref<!tpu.dma_semaphore, #tpu.memory_space<semaphore_mem>>)
      } else {
      }
      %eq3A_109 = arith.constant 2 : i32
      %eq3A_110 = arith.cmpi eq, %rem3A_80, %eq3A_109 : i32
      %convert_element_type3A_111 = arith.extui %eq3A_110 : i1 to i32
      %cond3A_112 = arith.constant 0 : i32
      %cond3A_113 = arith.cmpi ne, %convert_element_type3A_111, %cond3A_112 : i32
      scf.if %cond3A_113 {
        %mul3A_183 = arith.constant 104 : i32
        %mul3A_184 = arith.muli %scan3A_62, %mul3A_183 : i32
        %dma_wait3A = arith.constant 2 : i32
        %dma_wait3A_185 = arith.constant 0 : i32
        %dma_wait3A_186 = arith.constant 0 : i32
        %dma_wait3A_187 = tpu.memref_slice %arg7[%dma_wait3A, %dma_wait3A_185, %dma_wait3A_186] : memref<4x104x128xf32, #tpu.memory_space<vmem>> -> memref<1x104x128xf32, #tpu.memory_space<vmem>>
        %dma_wait3A_188 = tpu.memref_squeeze %dma_wait3A_187 : memref<1x104x128xf32, #tpu.memory_space<vmem>> -> memref<104x128xf32, #tpu.memory_space<vmem>>
        %dma_wait3A_189 = tpu.memref_slice %arg6[%mul3A_184] : memref<16640xi32, #tpu.memory_space<vmem>> -> memref<104xi32, #tpu.memory_space<vmem>>
        %dma_wait3A_190 = arith.constant 0 : i32
        %dma_wait3A_191 = arith.constant 0 : i32
        %dma_wait3A_192 = tpu.memref_slice %arg3[%dma_wait3A_190, %dma_wait3A_191] : memref<100000x128xf32, #tpu.memory_space<hbm>> -> memref<100000x128xf32, #tpu.memory_space<hbm>>
        tpu.wait_indirect_dma semaphore(%arg12 : memref<!tpu.dma_semaphore, #tpu.memory_space<semaphore_mem>>) src(%dma_wait3A_192 : memref<100000x128xf32, #tpu.memory_space<hbm>>) dst(%dma_wait3A_188 : memref<104x128xf32, #tpu.memory_space<vmem>>)
      } else {
      }
      %eq3A_114 = arith.constant 2 : i32
      %eq3A_115 = arith.cmpi eq, %rem3A_80, %eq3A_114 : i32
      %add3A_116 = arith.constant 4 : i32
      %add3A_117 = arith.addi %scan3A_62, %add3A_116 : i32
      %sub3A_118 = arith.constant 1 : i32
      %sub3A_119 = arith.subi %add3A_117, %sub3A_118 : i32
      %lt3A_120 = arith.constant 160 : i32
      %lt3A_121 = arith.cmpi slt, %sub3A_119, %lt3A_120 : i32
      %and3A_122 = arith.andi %eq3A_115, %lt3A_121 : i1
      %convert_element_type3A_123 = arith.extui %and3A_122 : i1 to i32
      %cond3A_124 = arith.constant 0 : i32
      %cond3A_125 = arith.cmpi ne, %convert_element_type3A_123, %cond3A_124 : i32
      scf.if %cond3A_125 {
        %add3A_183 = arith.constant 4 : i32
        %add3A_184 = arith.addi %scan3A_62, %add3A_183 : i32
        %sub3A_185 = arith.constant 1 : i32
        %sub3A_186 = arith.subi %add3A_184, %sub3A_185 : i32
        %mul3A_187 = arith.constant 104 : i32
        %mul3A_188 = arith.muli %sub3A_186, %mul3A_187 : i32
        %dma_start3A_189 = arith.constant 1 : i32
        %dma_start3A_190 = arith.constant 0 : i32
        %dma_start3A_191 = arith.constant 0 : i32
        %dma_start3A_192 = tpu.memref_slice %arg7[%dma_start3A_189, %dma_start3A_190, %dma_start3A_191] : memref<4x104x128xf32, #tpu.memory_space<vmem>> -> memref<1x104x128xf32, #tpu.memory_space<vmem>>
        %dma_start3A_193 = tpu.memref_squeeze %dma_start3A_192 : memref<1x104x128xf32, #tpu.memory_space<vmem>> -> memref<104x128xf32, #tpu.memory_space<vmem>>
        %dma_start3A_194 = tpu.memref_slice %arg6[%mul3A_188] : memref<16640xi32, #tpu.memory_space<vmem>> -> memref<104xi32, #tpu.memory_space<vmem>>
        %dma_start3A_195 = arith.constant 0 : i32
        %dma_start3A_196 = arith.constant 0 : i32
        %dma_start3A_197 = tpu.memref_slice %arg3[%dma_start3A_195, %dma_start3A_196] : memref<100000x128xf32, #tpu.memory_space<hbm>> -> memref<100000x128xf32, #tpu.memory_space<hbm>>
        tpu.enqueue_indirect_dma source(%dma_start3A_197 : memref<100000x128xf32, #tpu.memory_space<hbm>>) target(%dma_start3A_193 : memref<104x128xf32, #tpu.memory_space<vmem>>) offsets(%dma_start3A_194 : memref<104xi32, #tpu.memory_space<vmem>>) semaphore(%arg11 : memref<!tpu.dma_semaphore, #tpu.memory_space<semaphore_mem>>)
      } else {
      }
      %eq3A_126 = arith.constant 3 : i32
      %eq3A_127 = arith.cmpi eq, %rem3A_80, %eq3A_126 : i32
      %convert_element_type3A_128 = arith.extui %eq3A_127 : i1 to i32
      %cond3A_129 = arith.constant 0 : i32
      %cond3A_130 = arith.cmpi ne, %convert_element_type3A_128, %cond3A_129 : i32
      scf.if %cond3A_130 {
        %mul3A_183 = arith.constant 104 : i32
        %mul3A_184 = arith.muli %scan3A_62, %mul3A_183 : i32
        %dma_wait3A = arith.constant 3 : i32
        %dma_wait3A_185 = arith.constant 0 : i32
        %dma_wait3A_186 = arith.constant 0 : i32
        %dma_wait3A_187 = tpu.memref_slice %arg7[%dma_wait3A, %dma_wait3A_185, %dma_wait3A_186] : memref<4x104x128xf32, #tpu.memory_space<vmem>> -> memref<1x104x128xf32, #tpu.memory_space<vmem>>
        %dma_wait3A_188 = tpu.memref_squeeze %dma_wait3A_187 : memref<1x104x128xf32, #tpu.memory_space<vmem>> -> memref<104x128xf32, #tpu.memory_space<vmem>>
        %dma_wait3A_189 = tpu.memref_slice %arg6[%mul3A_184] : memref<16640xi32, #tpu.memory_space<vmem>> -> memref<104xi32, #tpu.memory_space<vmem>>
        %dma_wait3A_190 = arith.constant 0 : i32
        %dma_wait3A_191 = arith.constant 0 : i32
        %dma_wait3A_192 = tpu.memref_slice %arg3[%dma_wait3A_190, %dma_wait3A_191] : memref<100000x128xf32, #tpu.memory_space<hbm>> -> memref<100000x128xf32, #tpu.memory_space<hbm>>
        tpu.wait_indirect_dma semaphore(%arg13 : memref<!tpu.dma_semaphore, #tpu.memory_space<semaphore_mem>>) src(%dma_wait3A_192 : memref<100000x128xf32, #tpu.memory_space<hbm>>) dst(%dma_wait3A_188 : memref<104x128xf32, #tpu.memory_space<vmem>>)
      } else {
      }
      %eq3A_131 = arith.constant 3 : i32
      %eq3A_132 = arith.cmpi eq, %rem3A_80, %eq3A_131 : i32
      %add3A_133 = arith.constant 4 : i32
      %add3A_134 = arith.addi %scan3A_62, %add3A_133 : i32
      %sub3A_135 = arith.constant 1 : i32
      %sub3A_136 = arith.subi %add3A_134, %sub3A_135 : i32
      %lt3A_137 = arith.constant 160 : i32
      %lt3A_138 = arith.cmpi slt, %sub3A_136, %lt3A_137 : i32
      %and3A_139 = arith.andi %eq3A_132, %lt3A_138 : i1
      %convert_element_type3A_140 = arith.extui %and3A_139 : i1 to i32
      %cond3A_141 = arith.constant 0 : i32
      %cond3A_142 = arith.cmpi ne, %convert_element_type3A_140, %cond3A_141 : i32
      scf.if %cond3A_142 {
        %add3A_183 = arith.constant 4 : i32
        %add3A_184 = arith.addi %scan3A_62, %add3A_183 : i32
        %sub3A_185 = arith.constant 1 : i32
        %sub3A_186 = arith.subi %add3A_184, %sub3A_185 : i32
        %mul3A_187 = arith.constant 104 : i32
        %mul3A_188 = arith.muli %sub3A_186, %mul3A_187 : i32
        %dma_start3A_189 = arith.constant 2 : i32
        %dma_start3A_190 = arith.constant 0 : i32
        %dma_start3A_191 = arith.constant 0 : i32
        %dma_start3A_192 = tpu.memref_slice %arg7[%dma_start3A_189, %dma_start3A_190, %dma_start3A_191] : memref<4x104x128xf32, #tpu.memory_space<vmem>> -> memref<1x104x128xf32, #tpu.memory_space<vmem>>
        %dma_start3A_193 = tpu.memref_squeeze %dma_start3A_192 : memref<1x104x128xf32, #tpu.memory_space<vmem>> -> memref<104x128xf32, #tpu.memory_space<vmem>>
        %dma_start3A_194 = tpu.memref_slice %arg6[%mul3A_188] : memref<16640xi32, #tpu.memory_space<vmem>> -> memref<104xi32, #tpu.memory_space<vmem>>
        %dma_start3A_195 = arith.constant 0 : i32
        %dma_start3A_196 = arith.constant 0 : i32
        %dma_start3A_197 = tpu.memref_slice %arg3[%dma_start3A_195, %dma_start3A_196] : memref<100000x128xf32, #tpu.memory_space<hbm>> -> memref<100000x128xf32, #tpu.memory_space<hbm>>
        tpu.enqueue_indirect_dma source(%dma_start3A_197 : memref<100000x128xf32, #tpu.memory_space<hbm>>) target(%dma_start3A_193 : memref<104x128xf32, #tpu.memory_space<vmem>>) offsets(%dma_start3A_194 : memref<104xi32, #tpu.memory_space<vmem>>) semaphore(%arg12 : memref<!tpu.dma_semaphore, #tpu.memory_space<semaphore_mem>>)
      } else {
      }
      %rem3A_143 = arith.constant 5 : i32
      %rem3A_144 = arith.remsi %scan3A_62, %rem3A_143 : i32
      %eq3A_145 = arith.constant 0 : i32
      %eq3A_146 = arith.cmpi eq, %rem3A_144, %eq3A_145 : i32
      %jit3A = arith.constant 0.000000e+00 : f32
      %jit3A_147 = arith.constant 1.000000e+00 : f32
      %select_n3A = arith.select %eq3A_146, %jit3A, %jit3A_147 : f32
      %mul3A_148 = vector.broadcast %select_n3A : f32 to vector<16xf32>
      %mul3A_149 = arith.mulf %scan3A_63, %mul3A_148 : vector<16xf32>
      %mul3A_150 = vector.broadcast %select_n3A : f32 to vector<16xf32>
      %mul3A_151 = arith.mulf %scan3A_64, %mul3A_150 : vector<16xf32>
      %mul3A_152 = vector.broadcast %select_n3A : f32 to vector<16xf32>
      %mul3A_153 = arith.mulf %scan3A_65, %mul3A_152 : vector<16xf32>
      %mul3A_154 = vector.broadcast %select_n3A : f32 to vector<16xf32>
      %mul3A_155 = arith.mulf %scan3A_66, %mul3A_154 : vector<16xf32>
      %mul3A_156 = vector.broadcast %select_n3A : f32 to vector<16xf32>
      %mul3A_157 = arith.mulf %scan3A_67, %mul3A_156 : vector<16xf32>
      %mul3A_158 = vector.broadcast %select_n3A : f32 to vector<16xf32>
      %mul3A_159 = arith.mulf %scan3A_68, %mul3A_158 : vector<16xf32>
      %mul3A_160 = vector.broadcast %select_n3A : f32 to vector<16xf32>
      %mul3A_161 = arith.mulf %scan3A_69, %mul3A_160 : vector<16xf32>
      %mul3A_162 = vector.broadcast %select_n3A : f32 to vector<16xf32>
      %mul3A_163 = arith.mulf %scan3A_70, %mul3A_162 : vector<16xf32>
      %mul3A_164 = vector.broadcast %select_n3A : f32 to vector<16xf32>
      %mul3A_165 = arith.mulf %scan3A_79, %mul3A_164 : vector<16xf32>
      %sub3A_166 = arith.constant 1.000000e+00 : f32
      %sub3A_167 = arith.subf %sub3A_166, %select_n3A : f32
      %sub3A_168 = vector.broadcast %sub3A_167 : f32 to vector<16xf32>
      %sub3A_169 = arith.subf %mul3A_165, %sub3A_168 : vector<16xf32>
      %scan3A_170 = arith.constant 0 : i32
      %scan3A_171 = arith.constant 13 : i32
      %scan3A_172 = arith.addi %scan3A_170, %scan3A_171 : i32
      %scan3A_173 = arith.constant 1 : i32
      %scan3A_174:17 = scf.for %scan3A_183 = %scan3A_170 to %scan3A_172 step %scan3A_173 iter_args(%scan3A_184 = %mul3A_149, %scan3A_185 = %mul3A_151, %scan3A_186 = %mul3A_153, %scan3A_187 = %mul3A_155, %scan3A_188 = %mul3A_157, %scan3A_189 = %mul3A_159, %scan3A_190 = %mul3A_161, %scan3A_191 = %mul3A_163, %scan3A_192 = %scan3A_71, %scan3A_193 = %scan3A_72, %scan3A_194 = %scan3A_73, %scan3A_195 = %scan3A_74, %scan3A_196 = %scan3A_75, %scan3A_197 = %scan3A_76, %scan3A_198 = %scan3A_77, %scan3A_199 = %scan3A_78, %scan3A_200 = %sub3A_169) -> (vector<16xf32>, vector<16xf32>, vector<16xf32>, vector<16xf32>, vector<16xf32>, vector<16xf32>, vector<16xf32>, vector<16xf32>, vector<16xf32>, vector<16xf32>, vector<16xf32>, vector<16xf32>, vector<16xf32>, vector<16xf32>, vector<16xf32>, vector<16xf32>, vector<16xf32>)  : i32 {
        %mul3A_201 = arith.constant 8 : i32
        %mul3A_202 = arith.muli %scan3A_183, %mul3A_201 : i32
        %add3A_203 = arith.constant 0 : i32
        %add3A_204 = arith.addi %mul3A_202, %add3A_203 : i32
        %get3A = arith.constant 0 : i32
        %get3A_205 = arith.constant 0 : i32
        %get3A_206 = tpu.memref_slice %arg7[%rem3A_80, %get3A, %get3A_205] : memref<4x104x128xf32, #tpu.memory_space<vmem>> -> memref<1x104x128xf32, #tpu.memory_space<vmem>>
        %get3A_207 = tpu.memref_squeeze %get3A_206 : memref<1x104x128xf32, #tpu.memory_space<vmem>> -> memref<104x128xf32, #tpu.memory_space<vmem>>
        %get3A_208 = arith.index_cast %add3A_204 : i32 to index
        %get3A_209 = arith.constant 0 : index
        %get3A_210 = tpu.vector_load %get3A_207[%get3A_208, %get3A_209] {strides = array<i32>} : memref<104x128xf32, #tpu.memory_space<vmem>>, vector<1x16xf32>,
        %get3A_211 = vector.shape_cast %get3A_210 : vector<1x16xf32> to vector<16xf32>
        %get3A_212 = arith.constant 0 : i32
        %get3A_213 = arith.constant 0 : i32
        %get3A_214 = tpu.memref_slice %arg7[%rem3A_80, %get3A_212, %get3A_213] : memref<4x104x128xf32, #tpu.memory_space<vmem>> -> memref<1x104x128xf32, #tpu.memory_space<vmem>>
        %get3A_215 = tpu.memref_squeeze %get3A_214 : memref<1x104x128xf32, #tpu.memory_space<vmem>> -> memref<104x128xf32, #tpu.memory_space<vmem>>
        %get3A_216 = arith.index_cast %add3A_204 : i32 to index
        %get3A_217 = arith.constant 16 : index
        %get3A_218 = tpu.vector_load %get3A_215[%get3A_216, %get3A_217] {strides = array<i32>} : memref<104x128xf32, #tpu.memory_space<vmem>>, vector<1x16xf32>,
        %get3A_219 = vector.shape_cast %get3A_218 : vector<1x16xf32> to vector<16xf32>
        %get3A_220 = arith.constant 0 : i32
        %get3A_221 = arith.constant 0 : i32
        %get3A_222 = tpu.memref_slice %arg7[%rem3A_80, %get3A_220, %get3A_221] : memref<4x104x128xf32, #tpu.memory_space<vmem>> -> memref<1x104x128xf32, #tpu.memory_space<vmem>>
        %get3A_223 = tpu.memref_squeeze %get3A_222 : memref<1x104x128xf32, #tpu.memory_space<vmem>> -> memref<104x128xf32, #tpu.memory_space<vmem>>
        %get3A_224 = arith.index_cast %add3A_204 : i32 to index
        %get3A_225 = arith.constant 32 : index
        %get3A_226 = tpu.vector_load %get3A_223[%get3A_224, %get3A_225] {strides = array<i32>} : memref<104x128xf32, #tpu.memory_space<vmem>>, vector<1x16xf32>,
        %get3A_227 = vector.shape_cast %get3A_226 : vector<1x16xf32> to vector<16xf32>
        %get3A_228 = arith.constant 0 : i32
        %get3A_229 = arith.constant 0 : i32
        %get3A_230 = tpu.memref_slice %arg7[%rem3A_80, %get3A_228, %get3A_229] : memref<4x104x128xf32, #tpu.memory_space<vmem>> -> memref<1x104x128xf32, #tpu.memory_space<vmem>>
        %get3A_231 = tpu.memref_squeeze %get3A_230 : memref<1x104x128xf32, #tpu.memory_space<vmem>> -> memref<104x128xf32, #tpu.memory_space<vmem>>
        %get3A_232 = arith.index_cast %add3A_204 : i32 to index
        %get3A_233 = arith.constant 48 : index
        %get3A_234 = tpu.vector_load %get3A_231[%get3A_232, %get3A_233] {strides = array<i32>} : memref<104x128xf32, #tpu.memory_space<vmem>>, vector<1x16xf32>,
        %get3A_235 = vector.shape_cast %get3A_234 : vector<1x16xf32> to vector<16xf32>
        %get3A_236 = arith.constant 0 : i32
        %get3A_237 = arith.constant 0 : i32
        %get3A_238 = tpu.memref_slice %arg7[%rem3A_80, %get3A_236, %get3A_237] : memref<4x104x128xf32, #tpu.memory_space<vmem>> -> memref<1x104x128xf32, #tpu.memory_space<vmem>>
        %get3A_239 = tpu.memref_squeeze %get3A_238 : memref<1x104x128xf32, #tpu.memory_space<vmem>> -> memref<104x128xf32, #tpu.memory_space<vmem>>
        %get3A_240 = arith.index_cast %add3A_204 : i32 to index
        %get3A_241 = arith.constant 64 : index
        %get3A_242 = tpu.vector_load %get3A_239[%get3A_240, %get3A_241] {strides = array<i32>} : memref<104x128xf32, #tpu.memory_space<vmem>>, vector<1x16xf32>,
        %get3A_243 = vector.shape_cast %get3A_242 : vector<1x16xf32> to vector<16xf32>
        %get3A_244 = arith.constant 0 : i32
        %get3A_245 = arith.constant 0 : i32
        %get3A_246 = tpu.memref_slice %arg7[%rem3A_80, %get3A_244, %get3A_245] : memref<4x104x128xf32, #tpu.memory_space<vmem>> -> memref<1x104x128xf32, #tpu.memory_space<vmem>>
        %get3A_247 = tpu.memref_squeeze %get3A_246 : memref<1x104x128xf32, #tpu.memory_space<vmem>> -> memref<104x128xf32, #tpu.memory_space<vmem>>
        %get3A_248 = arith.index_cast %add3A_204 : i32 to index
        %get3A_249 = arith.constant 80 : index
        %get3A_250 = tpu.vector_load %get3A_247[%get3A_248, %get3A_249] {strides = array<i32>} : memref<104x128xf32, #tpu.memory_space<vmem>>, vector<1x16xf32>,
        %get3A_251 = vector.shape_cast %get3A_250 : vector<1x16xf32> to vector<16xf32>
        %get3A_252 = arith.constant 0 : i32
        %get3A_253 = arith.constant 0 : i32
        %get3A_254 = tpu.memref_slice %arg7[%rem3A_80, %get3A_252, %get3A_253] : memref<4x104x128xf32, #tpu.memory_space<vmem>> -> memref<1x104x128xf32, #tpu.memory_space<vmem>>
        %get3A_255 = tpu.memref_squeeze %get3A_254 : memref<1x104x128xf32, #tpu.memory_space<vmem>> -> memref<104x128xf32, #tpu.memory_space<vmem>>
        %get3A_256 = arith.index_cast %add3A_204 : i32 to index
        %get3A_257 = arith.constant 96 : index
        %get3A_258 = tpu.vector_load %get3A_255[%get3A_256, %get3A_257] {strides = array<i32>} : memref<104x128xf32, #tpu.memory_space<vmem>>, vector<1x16xf32>,
        %get3A_259 = vector.shape_cast %get3A_258 : vector<1x16xf32> to vector<16xf32>
        %get3A_260 = arith.constant 0 : i32
        %get3A_261 = arith.constant 0 : i32
        %get3A_262 = tpu.memref_slice %arg7[%rem3A_80, %get3A_260, %get3A_261] : memref<4x104x128xf32, #tpu.memory_space<vmem>> -> memref<1x104x128xf32, #tpu.memory_space<vmem>>
        %get3A_263 = tpu.memref_squeeze %get3A_262 : memref<1x104x128xf32, #tpu.memory_space<vmem>> -> memref<104x128xf32, #tpu.memory_space<vmem>>
        %get3A_264 = arith.index_cast %add3A_204 : i32 to index
        %get3A_265 = arith.constant 112 : index
        %get3A_266 = tpu.vector_load %get3A_263[%get3A_264, %get3A_265] {strides = array<i32>} : memref<104x128xf32, #tpu.memory_space<vmem>>, vector<1x16xf32>,
        %get3A_267 = vector.shape_cast %get3A_266 : vector<1x16xf32> to vector<16xf32>
        %mul3A_268 = arith.mulf %get3A_211, %get3A_211 : vector<16xf32>
        %mul3A_269 = arith.mulf %get3A_219, %get3A_219 : vector<16xf32>
        %add3A_270 = arith.addf %mul3A_268, %mul3A_269 : vector<16xf32>
        %mul3A_271 = arith.mulf %get3A_227, %get3A_227 : vector<16xf32>
        %add3A_272 = arith.addf %add3A_270, %mul3A_271 : vector<16xf32>
        %mul3A_273 = arith.mulf %get3A_235, %get3A_235 : vector<16xf32>
        %add3A_274 = arith.addf %add3A_272, %mul3A_273 : vector<16xf32>
        %mul3A_275 = arith.mulf %get3A_243, %get3A_243 : vector<16xf32>
        %add3A_276 = arith.addf %add3A_274, %mul3A_275 : vector<16xf32>
        %mul3A_277 = arith.mulf %get3A_251, %get3A_251 : vector<16xf32>
        %add3A_278 = arith.addf %add3A_276, %mul3A_277 : vector<16xf32>
        %mul3A_279 = arith.mulf %get3A_259, %get3A_259 : vector<16xf32>
        %add3A_280 = arith.addf %add3A_278, %mul3A_279 : vector<16xf32>
        %mul3A_281 = arith.mulf %get3A_267, %get3A_267 : vector<16xf32>
        %add3A_282 = arith.addf %add3A_280, %mul3A_281 : vector<16xf32>
        %gather3A = vector.shape_cast %reshape3A : vector<16x1xi32> to vector<16xi32>
        %gather3A_283 = tpu.dynamic_gather %add3A_282[%gather3A] in [0] : vector<16xf32>, vector<16xi32> -> vector<16xf32>
        %add3A_284 = arith.addf %add3A_282, %gather3A_283 : vector<16xf32>
        %gather3A_285 = vector.shape_cast %reshape3A_9 : vector<16x1xi32> to vector<16xi32>
        %gather3A_286 = tpu.dynamic_gather %add3A_284[%gather3A_285] in [0] : vector<16xf32>, vector<16xi32> -> vector<16xf32>
        %add3A_287 = arith.addf %add3A_284, %gather3A_286 : vector<16xf32>
        %gather3A_288 = vector.shape_cast %reshape3A_14 : vector<16x1xi32> to vector<16xi32>
        %gather3A_289 = tpu.dynamic_gather %add3A_287[%gather3A_288] in [0] : vector<16xf32>, vector<16xi32> -> vector<16xf32>
        %add3A_290 = arith.addf %add3A_287, %gather3A_289 : vector<16xf32>
        %gather3A_291 = vector.shape_cast %reshape3A_19 : vector<16x1xi32> to vector<16xi32>
        %gather3A_292 = tpu.dynamic_gather %add3A_290[%gather3A_291] in [0] : vector<16xf32>, vector<16xi32> -> vector<16xf32>
        %add3A_293 = arith.addf %add3A_290, %gather3A_292 : vector<16xf32>
        %gt3A = arith.cmpf ogt, %add3A_293, %scan3A_200 : vector<16xf32>
        %add3A_294 = arith.addf %scan3A_184, %get3A_211 : vector<16xf32>
        %add3A_295 = arith.addf %scan3A_185, %get3A_219 : vector<16xf32>
        %add3A_296 = arith.addf %scan3A_186, %get3A_227 : vector<16xf32>
        %add3A_297 = arith.addf %scan3A_187, %get3A_235 : vector<16xf32>
        %add3A_298 = arith.addf %scan3A_188, %get3A_243 : vector<16xf32>
        %add3A_299 = arith.addf %scan3A_189, %get3A_251 : vector<16xf32>
        %add3A_300 = arith.addf %scan3A_190, %get3A_259 : vector<16xf32>
        %add3A_301 = arith.addf %scan3A_191, %get3A_267 : vector<16xf32>
        %select_n3A_302 = arith.select %gt3A, %get3A_211, %scan3A_192 : vector<16xi1>, vector<16xf32>
        %select_n3A_303 = arith.select %gt3A, %get3A_219, %scan3A_193 : vector<16xi1>, vector<16xf32>
        %select_n3A_304 = arith.select %gt3A, %get3A_227, %scan3A_194 : vector<16xi1>, vector<16xf32>
        %select_n3A_305 = arith.select %gt3A, %get3A_235, %scan3A_195 : vector<16xi1>, vector<16xf32>
        %select_n3A_306 = arith.select %gt3A, %get3A_243, %scan3A_196 : vector<16xi1>, vector<16xf32>
        %select_n3A_307 = arith.select %gt3A, %get3A_251, %scan3A_197 : vector<16xi1>, vector<16xf32>
        %select_n3A_308 = arith.select %gt3A, %get3A_259, %scan3A_198 : vector<16xi1>, vector<16xf32>
        %select_n3A_309 = arith.select %gt3A, %get3A_267, %scan3A_199 : vector<16xi1>, vector<16xf32>
        %max3A = arith.maximumf %add3A_293, %scan3A_200 : vector<16xf32>
        %mul3A_310 = arith.constant 8 : i32
        %mul3A_311 = arith.muli %scan3A_183, %mul3A_310 : i32
        %add3A_312 = arith.constant 1 : i32
        %add3A_313 = arith.addi %mul3A_311, %add3A_312 : i32
        %get3A_314 = arith.constant 0 : i32
        %get3A_315 = arith.constant 0 : i32
        %get3A_316 = tpu.memref_slice %arg7[%rem3A_80, %get3A_314, %get3A_315] : memref<4x104x128xf32, #tpu.memory_space<vmem>> -> memref<1x104x128xf32, #tpu.memory_space<vmem>>
        %get3A_317 = tpu.memref_squeeze %get3A_316 : memref<1x104x128xf32, #tpu.memory_space<vmem>> -> memref<104x128xf32, #tpu.memory_space<vmem>>
        %get3A_318 = arith.index_cast %add3A_313 : i32 to index
        %get3A_319 = arith.constant 0 : index
        %get3A_320 = tpu.vector_load %get3A_317[%get3A_318, %get3A_319] {strides = array<i32>} : memref<104x128xf32, #tpu.memory_space<vmem>>, vector<1x16xf32>,
        %get3A_321 = vector.shape_cast %get3A_320 : vector<1x16xf32> to vector<16xf32>
        %get3A_322 = arith.constant 0 : i32
        %get3A_323 = arith.constant 0 : i32
        %get3A_324 = tpu.memref_slice %arg7[%rem3A_80, %get3A_322, %get3A_323] : memref<4x104x128xf32, #tpu.memory_space<vmem>> -> memref<1x104x128xf32, #tpu.memory_space<vmem>>
        %get3A_325 = tpu.memref_squeeze %get3A_324 : memref<1x104x128xf32, #tpu.memory_space<vmem>> -> memref<104x128xf32, #tpu.memory_space<vmem>>
        %get3A_326 = arith.index_cast %add3A_313 : i32 to index
        %get3A_327 = arith.constant 16 : index
        %get3A_328 = tpu.vector_load %get3A_325[%get3A_326, %get3A_327] {strides = array<i32>} : memref<104x128xf32, #tpu.memory_space<vmem>>, vector<1x16xf32>,
        %get3A_329 = vector.shape_cast %get3A_328 : vector<1x16xf32> to vector<16xf32>
        %get3A_330 = arith.constant 0 : i32
        %get3A_331 = arith.constant 0 : i32
        %get3A_332 = tpu.memref_slice %arg7[%rem3A_80, %get3A_330, %get3A_331] : memref<4x104x128xf32, #tpu.memory_space<vmem>> -> memref<1x104x128xf32, #tpu.memory_space<vmem>>
        %get3A_333 = tpu.memref_squeeze %get3A_332 : memref<1x104x128xf32, #tpu.memory_space<vmem>> -> memref<104x128xf32, #tpu.memory_space<vmem>>
        %get3A_334 = arith.index_cast %add3A_313 : i32 to index
        %get3A_335 = arith.constant 32 : index
        %get3A_336 = tpu.vector_load %get3A_333[%get3A_334, %get3A_335] {strides = array<i32>} : memref<104x128xf32, #tpu.memory_space<vmem>>, vector<1x16xf32>,
        %get3A_337 = vector.shape_cast %get3A_336 : vector<1x16xf32> to vector<16xf32>
        %get3A_338 = arith.constant 0 : i32
        %get3A_339 = arith.constant 0 : i32
        %get3A_340 = tpu.memref_slice %arg7[%rem3A_80, %get3A_338, %get3A_339] : memref<4x104x128xf32, #tpu.memory_space<vmem>> -> memref<1x104x128xf32, #tpu.memory_space<vmem>>
        %get3A_341 = tpu.memref_squeeze %get3A_340 : memref<1x104x128xf32, #tpu.memory_space<vmem>> -> memref<104x128xf32, #tpu.memory_space<vmem>>
        %get3A_342 = arith.index_cast %add3A_313 : i32 to index
        %get3A_343 = arith.constant 48 : index
        %get3A_344 = tpu.vector_load %get3A_341[%get3A_342, %get3A_343] {strides = array<i32>} : memref<104x128xf32, #tpu.memory_space<vmem>>, vector<1x16xf32>,
        %get3A_345 = vector.shape_cast %get3A_344 : vector<1x16xf32> to vector<16xf32>
        %get3A_346 = arith.constant 0 : i32
        %get3A_347 = arith.constant 0 : i32
        %get3A_348 = tpu.memref_slice %arg7[%rem3A_80, %get3A_346, %get3A_347] : memref<4x104x128xf32, #tpu.memory_space<vmem>> -> memref<1x104x128xf32, #tpu.memory_space<vmem>>
        %get3A_349 = tpu.memref_squeeze %get3A_348 : memref<1x104x128xf32, #tpu.memory_space<vmem>> -> memref<104x128xf32, #tpu.memory_space<vmem>>
        %get3A_350 = arith.index_cast %add3A_313 : i32 to index
        %get3A_351 = arith.constant 64 : index
        %get3A_352 = tpu.vector_load %get3A_349[%get3A_350, %get3A_351] {strides = array<i32>} : memref<104x128xf32, #tpu.memory_space<vmem>>, vector<1x16xf32>,
        %get3A_353 = vector.shape_cast %get3A_352 : vector<1x16xf32> to vector<16xf32>
        %get3A_354 = arith.constant 0 : i32
        %get3A_355 = arith.constant 0 : i32
        %get3A_356 = tpu.memref_slice %arg7[%rem3A_80, %get3A_354, %get3A_355] : memref<4x104x128xf32, #tpu.memory_space<vmem>> -> memref<1x104x128xf32, #tpu.memory_space<vmem>>
        %get3A_357 = tpu.memref_squeeze %get3A_356 : memref<1x104x128xf32, #tpu.memory_space<vmem>> -> memref<104x128xf32, #tpu.memory_space<vmem>>
        %get3A_358 = arith.index_cast %add3A_313 : i32 to index
        %get3A_359 = arith.constant 80 : index
        %get3A_360 = tpu.vector_load %get3A_357[%get3A_358, %get3A_359] {strides = array<i32>} : memref<104x128xf32, #tpu.memory_space<vmem>>, vector<1x16xf32>,
        %get3A_361 = vector.shape_cast %get3A_360 : vector<1x16xf32> to vector<16xf32>
        %get3A_362 = arith.constant 0 : i32
        %get3A_363 = arith.constant 0 : i32
        %get3A_364 = tpu.memref_slice %arg7[%rem3A_80, %get3A_362, %get3A_363] : memref<4x104x128xf32, #tpu.memory_space<vmem>> -> memref<1x104x128xf32, #tpu.memory_space<vmem>>
        %get3A_365 = tpu.memref_squeeze %get3A_364 : memref<1x104x128xf32, #tpu.memory_space<vmem>> -> memref<104x128xf32, #tpu.memory_space<vmem>>
        %get3A_366 = arith.index_cast %add3A_313 : i32 to index
        %get3A_367 = arith.constant 96 : index
        %get3A_368 = tpu.vector_load %get3A_365[%get3A_366, %get3A_367] {strides = array<i32>} : memref<104x128xf32, #tpu.memory_space<vmem>>, vector<1x16xf32>,
        %get3A_369 = vector.shape_cast %get3A_368 : vector<1x16xf32> to vector<16xf32>
        %get3A_370 = arith.constant 0 : i32
        %get3A_371 = arith.constant 0 : i32
        %get3A_372 = tpu.memref_slice %arg7[%rem3A_80, %get3A_370, %get3A_371] : memref<4x104x128xf32, #tpu.memory_space<vmem>> -> memref<1x104x128xf32, #tpu.memory_space<vmem>>
        %get3A_373 = tpu.memref_squeeze %get3A_372 : memref<1x104x128xf32, #tpu.memory_space<vmem>> -> memref<104x128xf32, #tpu.memory_space<vmem>>
        %get3A_374 = arith.index_cast %add3A_313 : i32 to index
        %get3A_375 = arith.constant 112 : index
        %get3A_376 = tpu.vector_load %get3A_373[%get3A_374, %get3A_375] {strides = array<i32>} : memref<104x128xf32, #tpu.memory_space<vmem>>, vector<1x16xf32>,
        %get3A_377 = vector.shape_cast %get3A_376 : vector<1x16xf32> to vector<16xf32>
        %mul3A_378 = arith.mulf %get3A_321, %get3A_321 : vector<16xf32>
        %mul3A_379 = arith.mulf %get3A_329, %get3A_329 : vector<16xf32>
        %add3A_380 = arith.addf %mul3A_378, %mul3A_379 : vector<16xf32>
        %mul3A_381 = arith.mulf %get3A_337, %get3A_337 : vector<16xf32>
        %add3A_382 = arith.addf %add3A_380, %mul3A_381 : vector<16xf32>
        %mul3A_383 = arith.mulf %get3A_345, %get3A_345 : vector<16xf32>
        %add3A_384 = arith.addf %add3A_382, %mul3A_383 : vector<16xf32>
        %mul3A_385 = arith.mulf %get3A_353, %get3A_353 : vector<16xf32>
        %add3A_386 = arith.addf %add3A_384, %mul3A_385 : vector<16xf32>
        %mul3A_387 = arith.mulf %get3A_361, %get3A_361 : vector<16xf32>
        %add3A_388 = arith.addf %add3A_386, %mul3A_387 : vector<16xf32>
        %mul3A_389 = arith.mulf %get3A_369, %get3A_369 : vector<16xf32>
        %add3A_390 = arith.addf %add3A_388, %mul3A_389 : vector<16xf32>
        %mul3A_391 = arith.mulf %get3A_377, %get3A_377 : vector<16xf32>
        %add3A_392 = arith.addf %add3A_390, %mul3A_391 : vector<16xf32>
        %gather3A_393 = vector.shape_cast %reshape3A : vector<16x1xi32> to vector<16xi32>
        %gather3A_394 = tpu.dynamic_gather %add3A_392[%gather3A_393] in [0] : vector<16xf32>, vector<16xi32> -> vector<16xf32>
        %add3A_395 = arith.addf %add3A_392, %gather3A_394 : vector<16xf32>
        %gather3A_396 = vector.shape_cast %reshape3A_9 : vector<16x1xi32> to vector<16xi32>
        %gather3A_397 = tpu.dynamic_gather %add3A_395[%gather3A_396] in [0] : vector<16xf32>, vector<16xi32> -> vector<16xf32>
        %add3A_398 = arith.addf %add3A_395, %gather3A_397 : vector<16xf32>
        %gather3A_399 = vector.shape_cast %reshape3A_14 : vector<16x1xi32> to vector<16xi32>
        %gather3A_400 = tpu.dynamic_gather %add3A_398[%gather3A_399] in [0] : vector<16xf32>, vector<16xi32> -> vector<16xf32>
        %add3A_401 = arith.addf %add3A_398, %gather3A_400 : vector<16xf32>
        %gather3A_402 = vector.shape_cast %reshape3A_19 : vector<16x1xi32> to vector<16xi32>
        %gather3A_403 = tpu.dynamic_gather %add3A_401[%gather3A_402] in [0] : vector<16xf32>, vector<16xi32> -> vector<16xf32>
        %add3A_404 = arith.addf %add3A_401, %gather3A_403 : vector<16xf32>
        %gt3A_405 = arith.cmpf ogt, %add3A_404, %max3A : vector<16xf32>
        %add3A_406 = arith.addf %add3A_294, %get3A_321 : vector<16xf32>
        %add3A_407 = arith.addf %add3A_295, %get3A_329 : vector<16xf32>
        %add3A_408 = arith.addf %add3A_296, %get3A_337 : vector<16xf32>
        %add3A_409 = arith.addf %add3A_297, %get3A_345 : vector<16xf32>
        %add3A_410 = arith.addf %add3A_298, %get3A_353 : vector<16xf32>
        %add3A_411 = arith.addf %add3A_299, %get3A_361 : vector<16xf32>
        %add3A_412 = arith.addf %add3A_300, %get3A_369 : vector<16xf32>
        %add3A_413 = arith.addf %add3A_301, %get3A_377 : vector<16xf32>
        %select_n3A_414 = arith.select %gt3A_405, %get3A_321, %select_n3A_302 : vector<16xi1>, vector<16xf32>
        %select_n3A_415 = arith.select %gt3A_405, %get3A_329, %select_n3A_303 : vector<16xi1>, vector<16xf32>
        %select_n3A_416 = arith.select %gt3A_405, %get3A_337, %select_n3A_304 : vector<16xi1>, vector<16xf32>
        %select_n3A_417 = arith.select %gt3A_405, %get3A_345, %select_n3A_305 : vector<16xi1>, vector<16xf32>
        %select_n3A_418 = arith.select %gt3A_405, %get3A_353, %select_n3A_306 : vector<16xi1>, vector<16xf32>
        %select_n3A_419 = arith.select %gt3A_405, %get3A_361, %select_n3A_307 : vector<16xi1>, vector<16xf32>
        %select_n3A_420 = arith.select %gt3A_405, %get3A_369, %select_n3A_308 : vector<16xi1>, vector<16xf32>
        %select_n3A_421 = arith.select %gt3A_405, %get3A_377, %select_n3A_309 : vector<16xi1>, vector<16xf32>
        %max3A_422 = arith.maximumf %add3A_404, %max3A : vector<16xf32>
        %mul3A_423 = arith.constant 8 : i32
        %mul3A_424 = arith.muli %scan3A_183, %mul3A_423 : i32
        %add3A_425 = arith.constant 2 : i32
        %add3A_426 = arith.addi %mul3A_424, %add3A_425 : i32
        %get3A_427 = arith.constant 0 : i32
        %get3A_428 = arith.constant 0 : i32
        %get3A_429 = tpu.memref_slice %arg7[%rem3A_80, %get3A_427, %get3A_428] : memref<4x104x128xf32, #tpu.memory_space<vmem>> -> memref<1x104x128xf32, #tpu.memory_space<vmem>>
        %get3A_430 = tpu.memref_squeeze %get3A_429 : memref<1x104x128xf32, #tpu.memory_space<vmem>> -> memref<104x128xf32, #tpu.memory_space<vmem>>
        %get3A_431 = arith.index_cast %add3A_426 : i32 to index
        %get3A_432 = arith.constant 0 : index
        %get3A_433 = tpu.vector_load %get3A_430[%get3A_431, %get3A_432] {strides = array<i32>} : memref<104x128xf32, #tpu.memory_space<vmem>>, vector<1x16xf32>,
        %get3A_434 = vector.shape_cast %get3A_433 : vector<1x16xf32> to vector<16xf32>
        %get3A_435 = arith.constant 0 : i32
        %get3A_436 = arith.constant 0 : i32
        %get3A_437 = tpu.memref_slice %arg7[%rem3A_80, %get3A_435, %get3A_436] : memref<4x104x128xf32, #tpu.memory_space<vmem>> -> memref<1x104x128xf32, #tpu.memory_space<vmem>>
        %get3A_438 = tpu.memref_squeeze %get3A_437 : memref<1x104x128xf32, #tpu.memory_space<vmem>> -> memref<104x128xf32, #tpu.memory_space<vmem>>
        %get3A_439 = arith.index_cast %add3A_426 : i32 to index
        %get3A_440 = arith.constant 16 : index
        %get3A_441 = tpu.vector_load %get3A_438[%get3A_439, %get3A_440] {strides = array<i32>} : memref<104x128xf32, #tpu.memory_space<vmem>>, vector<1x16xf32>,
        %get3A_442 = vector.shape_cast %get3A_441 : vector<1x16xf32> to vector<16xf32>
        %get3A_443 = arith.constant 0 : i32
        %get3A_444 = arith.constant 0 : i32
        %get3A_445 = tpu.memref_slice %arg7[%rem3A_80, %get3A_443, %get3A_444] : memref<4x104x128xf32, #tpu.memory_space<vmem>> -> memref<1x104x128xf32, #tpu.memory_space<vmem>>
        %get3A_446 = tpu.memref_squeeze %get3A_445 : memref<1x104x128xf32, #tpu.memory_space<vmem>> -> memref<104x128xf32, #tpu.memory_space<vmem>>
        %get3A_447 = arith.index_cast %add3A_426 : i32 to index
        %get3A_448 = arith.constant 32 : index
        %get3A_449 = tpu.vector_load %get3A_446[%get3A_447, %get3A_448] {strides = array<i32>} : memref<104x128xf32, #tpu.memory_space<vmem>>, vector<1x16xf32>,
        %get3A_450 = vector.shape_cast %get3A_449 : vector<1x16xf32> to vector<16xf32>
        %get3A_451 = arith.constant 0 : i32
        %get3A_452 = arith.constant 0 : i32
        %get3A_453 = tpu.memref_slice %arg7[%rem3A_80, %get3A_451, %get3A_452] : memref<4x104x128xf32, #tpu.memory_space<vmem>> -> memref<1x104x128xf32, #tpu.memory_space<vmem>>
        %get3A_454 = tpu.memref_squeeze %get3A_453 : memref<1x104x128xf32, #tpu.memory_space<vmem>> -> memref<104x128xf32, #tpu.memory_space<vmem>>
        %get3A_455 = arith.index_cast %add3A_426 : i32 to index
        %get3A_456 = arith.constant 48 : index
        %get3A_457 = tpu.vector_load %get3A_454[%get3A_455, %get3A_456] {strides = array<i32>} : memref<104x128xf32, #tpu.memory_space<vmem>>, vector<1x16xf32>,
        %get3A_458 = vector.shape_cast %get3A_457 : vector<1x16xf32> to vector<16xf32>
        %get3A_459 = arith.constant 0 : i32
        %get3A_460 = arith.constant 0 : i32
        %get3A_461 = tpu.memref_slice %arg7[%rem3A_80, %get3A_459, %get3A_460] : memref<4x104x128xf32, #tpu.memory_space<vmem>> -> memref<1x104x128xf32, #tpu.memory_space<vmem>>
        %get3A_462 = tpu.memref_squeeze %get3A_461 : memref<1x104x128xf32, #tpu.memory_space<vmem>> -> memref<104x128xf32, #tpu.memory_space<vmem>>
        %get3A_463 = arith.index_cast %add3A_426 : i32 to index
        %get3A_464 = arith.constant 64 : index
        %get3A_465 = tpu.vector_load %get3A_462[%get3A_463, %get3A_464] {strides = array<i32>} : memref<104x128xf32, #tpu.memory_space<vmem>>, vector<1x16xf32>,
        %get3A_466 = vector.shape_cast %get3A_465 : vector<1x16xf32> to vector<16xf32>
        %get3A_467 = arith.constant 0 : i32
        %get3A_468 = arith.constant 0 : i32
        %get3A_469 = tpu.memref_slice %arg7[%rem3A_80, %get3A_467, %get3A_468] : memref<4x104x128xf32, #tpu.memory_space<vmem>> -> memref<1x104x128xf32, #tpu.memory_space<vmem>>
        %get3A_470 = tpu.memref_squeeze %get3A_469 : memref<1x104x128xf32, #tpu.memory_space<vmem>> -> memref<104x128xf32, #tpu.memory_space<vmem>>
        %get3A_471 = arith.index_cast %add3A_426 : i32 to index
        %get3A_472 = arith.constant 80 : index
        %get3A_473 = tpu.vector_load %get3A_470[%get3A_471, %get3A_472] {strides = array<i32>} : memref<104x128xf32, #tpu.memory_space<vmem>>, vector<1x16xf32>,
        %get3A_474 = vector.shape_cast %get3A_473 : vector<1x16xf32> to vector<16xf32>
        %get3A_475 = arith.constant 0 : i32
        %get3A_476 = arith.constant 0 : i32
        %get3A_477 = tpu.memref_slice %arg7[%rem3A_80, %get3A_475, %get3A_476] : memref<4x104x128xf32, #tpu.memory_space<vmem>> -> memref<1x104x128xf32, #tpu.memory_space<vmem>>
        %get3A_478 = tpu.memref_squeeze %get3A_477 : memref<1x104x128xf32, #tpu.memory_space<vmem>> -> memref<104x128xf32, #tpu.memory_space<vmem>>
        %get3A_479 = arith.index_cast %add3A_426 : i32 to index
        %get3A_480 = arith.constant 96 : index
        %get3A_481 = tpu.vector_load %get3A_478[%get3A_479, %get3A_480] {strides = array<i32>} : memref<104x128xf32, #tpu.memory_space<vmem>>, vector<1x16xf32>,
        %get3A_482 = vector.shape_cast %get3A_481 : vector<1x16xf32> to vector<16xf32>
        %get3A_483 = arith.constant 0 : i32
        %get3A_484 = arith.constant 0 : i32
        %get3A_485 = tpu.memref_slice %arg7[%rem3A_80, %get3A_483, %get3A_484] : memref<4x104x128xf32, #tpu.memory_space<vmem>> -> memref<1x104x128xf32, #tpu.memory_space<vmem>>
        %get3A_486 = tpu.memref_squeeze %get3A_485 : memref<1x104x128xf32, #tpu.memory_space<vmem>> -> memref<104x128xf32, #tpu.memory_space<vmem>>
        %get3A_487 = arith.index_cast %add3A_426 : i32 to index
        %get3A_488 = arith.constant 112 : index
        %get3A_489 = tpu.vector_load %get3A_486[%get3A_487, %get3A_488] {strides = array<i32>} : memref<104x128xf32, #tpu.memory_space<vmem>>, vector<1x16xf32>,
        %get3A_490 = vector.shape_cast %get3A_489 : vector<1x16xf32> to vector<16xf32>
        %mul3A_491 = arith.mulf %get3A_434, %get3A_434 : vector<16xf32>
        %mul3A_492 = arith.mulf %get3A_442, %get3A_442 : vector<16xf32>
        %add3A_493 = arith.addf %mul3A_491, %mul3A_492 : vector<16xf32>
        %mul3A_494 = arith.mulf %get3A_450, %get3A_450 : vector<16xf32>
        %add3A_495 = arith.addf %add3A_493, %mul3A_494 : vector<16xf32>
        %mul3A_496 = arith.mulf %get3A_458, %get3A_458 : vector<16xf32>
        %add3A_497 = arith.addf %add3A_495, %mul3A_496 : vector<16xf32>
        %mul3A_498 = arith.mulf %get3A_466, %get3A_466 : vector<16xf32>
        %add3A_499 = arith.addf %add3A_497, %mul3A_498 : vector<16xf32>
        %mul3A_500 = arith.mulf %get3A_474, %get3A_474 : vector<16xf32>
        %add3A_501 = arith.addf %add3A_499, %mul3A_500 : vector<16xf32>
        %mul3A_502 = arith.mulf %get3A_482, %get3A_482 : vector<16xf32>
        %add3A_503 = arith.addf %add3A_501, %mul3A_502 : vector<16xf32>
        %mul3A_504 = arith.mulf %get3A_490, %get3A_490 : vector<16xf32>
        %add3A_505 = arith.addf %add3A_503, %mul3A_504 : vector<16xf32>
        %gather3A_506 = vector.shape_cast %reshape3A : vector<16x1xi32> to vector<16xi32>
        %gather3A_507 = tpu.dynamic_gather %add3A_505[%gather3A_506] in [0] : vector<16xf32>, vector<16xi32> -> vector<16xf32>
        %add3A_508 = arith.addf %add3A_505, %gather3A_507 : vector<16xf32>
        %gather3A_509 = vector.shape_cast %reshape3A_9 : vector<16x1xi32> to vector<16xi32>
        %gather3A_510 = tpu.dynamic_gather %add3A_508[%gather3A_509] in [0] : vector<16xf32>, vector<16xi32> -> vector<16xf32>
        %add3A_511 = arith.addf %add3A_508, %gather3A_510 : vector<16xf32>
        %gather3A_512 = vector.shape_cast %reshape3A_14 : vector<16x1xi32> to vector<16xi32>
        %gather3A_513 = tpu.dynamic_gather %add3A_511[%gather3A_512] in [0] : vector<16xf32>, vector<16xi32> -> vector<16xf32>
        %add3A_514 = arith.addf %add3A_511, %gather3A_513 : vector<16xf32>
        %gather3A_515 = vector.shape_cast %reshape3A_19 : vector<16x1xi32> to vector<16xi32>
        %gather3A_516 = tpu.dynamic_gather %add3A_514[%gather3A_515] in [0] : vector<16xf32>, vector<16xi32> -> vector<16xf32>
        %add3A_517 = arith.addf %add3A_514, %gather3A_516 : vector<16xf32>
        %gt3A_518 = arith.cmpf ogt, %add3A_517, %max3A_422 : vector<16xf32>
        %add3A_519 = arith.addf %add3A_406, %get3A_434 : vector<16xf32>
        %add3A_520 = arith.addf %add3A_407, %get3A_442 : vector<16xf32>
        %add3A_521 = arith.addf %add3A_408, %get3A_450 : vector<16xf32>
        %add3A_522 = arith.addf %add3A_409, %get3A_458 : vector<16xf32>
        %add3A_523 = arith.addf %add3A_410, %get3A_466 : vector<16xf32>
        %add3A_524 = arith.addf %add3A_411, %get3A_474 : vector<16xf32>
        %add3A_525 = arith.addf %add3A_412, %get3A_482 : vector<16xf32>
        %add3A_526 = arith.addf %add3A_413, %get3A_490 : vector<16xf32>
        %select_n3A_527 = arith.select %gt3A_518, %get3A_434, %select_n3A_414 : vector<16xi1>, vector<16xf32>
        %select_n3A_528 = arith.select %gt3A_518, %get3A_442, %select_n3A_415 : vector<16xi1>, vector<16xf32>
        %select_n3A_529 = arith.select %gt3A_518, %get3A_450, %select_n3A_416 : vector<16xi1>, vector<16xf32>
        %select_n3A_530 = arith.select %gt3A_518, %get3A_458, %select_n3A_417 : vector<16xi1>, vector<16xf32>
        %select_n3A_531 = arith.select %gt3A_518, %get3A_466, %select_n3A_418 : vector<16xi1>, vector<16xf32>
        %select_n3A_532 = arith.select %gt3A_518, %get3A_474, %select_n3A_419 : vector<16xi1>, vector<16xf32>
        %select_n3A_533 = arith.select %gt3A_518, %get3A_482, %select_n3A_420 : vector<16xi1>, vector<16xf32>
        %select_n3A_534 = arith.select %gt3A_518, %get3A_490, %select_n3A_421 : vector<16xi1>, vector<16xf32>
        %max3A_535 = arith.maximumf %add3A_517, %max3A_422 : vector<16xf32>
        %mul3A_536 = arith.constant 8 : i32
        %mul3A_537 = arith.muli %scan3A_183, %mul3A_536 : i32
        %add3A_538 = arith.constant 3 : i32
        %add3A_539 = arith.addi %mul3A_537, %add3A_538 : i32
        %get3A_540 = arith.constant 0 : i32
        %get3A_541 = arith.constant 0 : i32
        %get3A_542 = tpu.memref_slice %arg7[%rem3A_80, %get3A_540, %get3A_541] : memref<4x104x128xf32, #tpu.memory_space<vmem>> -> memref<1x104x128xf32, #tpu.memory_space<vmem>>
        %get3A_543 = tpu.memref_squeeze %get3A_542 : memref<1x104x128xf32, #tpu.memory_space<vmem>> -> memref<104x128xf32, #tpu.memory_space<vmem>>
        %get3A_544 = arith.index_cast %add3A_539 : i32 to index
        %get3A_545 = arith.constant 0 : index
        %get3A_546 = tpu.vector_load %get3A_543[%get3A_544, %get3A_545] {strides = array<i32>} : memref<104x128xf32, #tpu.memory_space<vmem>>, vector<1x16xf32>,
        %get3A_547 = vector.shape_cast %get3A_546 : vector<1x16xf32> to vector<16xf32>
        %get3A_548 = arith.constant 0 : i32
        %get3A_549 = arith.constant 0 : i32
        %get3A_550 = tpu.memref_slice %arg7[%rem3A_80, %get3A_548, %get3A_549] : memref<4x104x128xf32, #tpu.memory_space<vmem>> -> memref<1x104x128xf32, #tpu.memory_space<vmem>>
        %get3A_551 = tpu.memref_squeeze %get3A_550 : memref<1x104x128xf32, #tpu.memory_space<vmem>> -> memref<104x128xf32, #tpu.memory_space<vmem>>
        %get3A_552 = arith.index_cast %add3A_539 : i32 to index
        %get3A_553 = arith.constant 16 : index
        %get3A_554 = tpu.vector_load %get3A_551[%get3A_552, %get3A_553] {strides = array<i32>} : memref<104x128xf32, #tpu.memory_space<vmem>>, vector<1x16xf32>,
        %get3A_555 = vector.shape_cast %get3A_554 : vector<1x16xf32> to vector<16xf32>
        %get3A_556 = arith.constant 0 : i32
        %get3A_557 = arith.constant 0 : i32
        %get3A_558 = tpu.memref_slice %arg7[%rem3A_80, %get3A_556, %get3A_557] : memref<4x104x128xf32, #tpu.memory_space<vmem>> -> memref<1x104x128xf32, #tpu.memory_space<vmem>>
        %get3A_559 = tpu.memref_squeeze %get3A_558 : memref<1x104x128xf32, #tpu.memory_space<vmem>> -> memref<104x128xf32, #tpu.memory_space<vmem>>
        %get3A_560 = arith.index_cast %add3A_539 : i32 to index
        %get3A_561 = arith.constant 32 : index
        %get3A_562 = tpu.vector_load %get3A_559[%get3A_560, %get3A_561] {strides = array<i32>} : memref<104x128xf32, #tpu.memory_space<vmem>>, vector<1x16xf32>,
        %get3A_563 = vector.shape_cast %get3A_562 : vector<1x16xf32> to vector<16xf32>
        %get3A_564 = arith.constant 0 : i32
        %get3A_565 = arith.constant 0 : i32
        %get3A_566 = tpu.memref_slice %arg7[%rem3A_80, %get3A_564, %get3A_565] : memref<4x104x128xf32, #tpu.memory_space<vmem>> -> memref<1x104x128xf32, #tpu.memory_space<vmem>>
        %get3A_567 = tpu.memref_squeeze %get3A_566 : memref<1x104x128xf32, #tpu.memory_space<vmem>> -> memref<104x128xf32, #tpu.memory_space<vmem>>
        %get3A_568 = arith.index_cast %add3A_539 : i32 to index
        %get3A_569 = arith.constant 48 : index
        %get3A_570 = tpu.vector_load %get3A_567[%get3A_568, %get3A_569] {strides = array<i32>} : memref<104x128xf32, #tpu.memory_space<vmem>>, vector<1x16xf32>,
        %get3A_571 = vector.shape_cast %get3A_570 : vector<1x16xf32> to vector<16xf32>
        %get3A_572 = arith.constant 0 : i32
        %get3A_573 = arith.constant 0 : i32
        %get3A_574 = tpu.memref_slice %arg7[%rem3A_80, %get3A_572, %get3A_573] : memref<4x104x128xf32, #tpu.memory_space<vmem>> -> memref<1x104x128xf32, #tpu.memory_space<vmem>>
        %get3A_575 = tpu.memref_squeeze %get3A_574 : memref<1x104x128xf32, #tpu.memory_space<vmem>> -> memref<104x128xf32, #tpu.memory_space<vmem>>
        %get3A_576 = arith.index_cast %add3A_539 : i32 to index
        %get3A_577 = arith.constant 64 : index
        %get3A_578 = tpu.vector_load %get3A_575[%get3A_576, %get3A_577] {strides = array<i32>} : memref<104x128xf32, #tpu.memory_space<vmem>>, vector<1x16xf32>,
        %get3A_579 = vector.shape_cast %get3A_578 : vector<1x16xf32> to vector<16xf32>
        %get3A_580 = arith.constant 0 : i32
        %get3A_581 = arith.constant 0 : i32
        %get3A_582 = tpu.memref_slice %arg7[%rem3A_80, %get3A_580, %get3A_581] : memref<4x104x128xf32, #tpu.memory_space<vmem>> -> memref<1x104x128xf32, #tpu.memory_space<vmem>>
        %get3A_583 = tpu.memref_squeeze %get3A_582 : memref<1x104x128xf32, #tpu.memory_space<vmem>> -> memref<104x128xf32, #tpu.memory_space<vmem>>
        %get3A_584 = arith.index_cast %add3A_539 : i32 to index
        %get3A_585 = arith.constant 80 : index
        %get3A_586 = tpu.vector_load %get3A_583[%get3A_584, %get3A_585] {strides = array<i32>} : memref<104x128xf32, #tpu.memory_space<vmem>>, vector<1x16xf32>,
        %get3A_587 = vector.shape_cast %get3A_586 : vector<1x16xf32> to vector<16xf32>
        %get3A_588 = arith.constant 0 : i32
        %get3A_589 = arith.constant 0 : i32
        %get3A_590 = tpu.memref_slice %arg7[%rem3A_80, %get3A_588, %get3A_589] : memref<4x104x128xf32, #tpu.memory_space<vmem>> -> memref<1x104x128xf32, #tpu.memory_space<vmem>>
        %get3A_591 = tpu.memref_squeeze %get3A_590 : memref<1x104x128xf32, #tpu.memory_space<vmem>> -> memref<104x128xf32, #tpu.memory_space<vmem>>
        %get3A_592 = arith.index_cast %add3A_539 : i32 to index
        %get3A_593 = arith.constant 96 : index
        %get3A_594 = tpu.vector_load %get3A_591[%get3A_592, %get3A_593] {strides = array<i32>} : memref<104x128xf32, #tpu.memory_space<vmem>>, vector<1x16xf32>,
        %get3A_595 = vector.shape_cast %get3A_594 : vector<1x16xf32> to vector<16xf32>
        %get3A_596 = arith.constant 0 : i32
        %get3A_597 = arith.constant 0 : i32
        %get3A_598 = tpu.memref_slice %arg7[%rem3A_80, %get3A_596, %get3A_597] : memref<4x104x128xf32, #tpu.memory_space<vmem>> -> memref<1x104x128xf32, #tpu.memory_space<vmem>>
        %get3A_599 = tpu.memref_squeeze %get3A_598 : memref<1x104x128xf32, #tpu.memory_space<vmem>> -> memref<104x128xf32, #tpu.memory_space<vmem>>
        %get3A_600 = arith.index_cast %add3A_539 : i32 to index
        %get3A_601 = arith.constant 112 : index
        %get3A_602 = tpu.vector_load %get3A_599[%get3A_600, %get3A_601] {strides = array<i32>} : memref<104x128xf32, #tpu.memory_space<vmem>>, vector<1x16xf32>,
        %get3A_603 = vector.shape_cast %get3A_602 : vector<1x16xf32> to vector<16xf32>
        %mul3A_604 = arith.mulf %get3A_547, %get3A_547 : vector<16xf32>
        %mul3A_605 = arith.mulf %get3A_555, %get3A_555 : vector<16xf32>
        %add3A_606 = arith.addf %mul3A_604, %mul3A_605 : vector<16xf32>
        %mul3A_607 = arith.mulf %get3A_563, %get3A_563 : vector<16xf32>
        %add3A_608 = arith.addf %add3A_606, %mul3A_607 : vector<16xf32>
        %mul3A_609 = arith.mulf %get3A_571, %get3A_571 : vector<16xf32>
        %add3A_610 = arith.addf %add3A_608, %mul3A_609 : vector<16xf32>
        %mul3A_611 = arith.mulf %get3A_579, %get3A_579 : vector<16xf32>
        %add3A_612 = arith.addf %add3A_610, %mul3A_611 : vector<16xf32>
        %mul3A_613 = arith.mulf %get3A_587, %get3A_587 : vector<16xf32>
        %add3A_614 = arith.addf %add3A_612, %mul3A_613 : vector<16xf32>
        %mul3A_615 = arith.mulf %get3A_595, %get3A_595 : vector<16xf32>
        %add3A_616 = arith.addf %add3A_614, %mul3A_615 : vector<16xf32>
        %mul3A_617 = arith.mulf %get3A_603, %get3A_603 : vector<16xf32>
        %add3A_618 = arith.addf %add3A_616, %mul3A_617 : vector<16xf32>
        %gather3A_619 = vector.shape_cast %reshape3A : vector<16x1xi32> to vector<16xi32>
        %gather3A_620 = tpu.dynamic_gather %add3A_618[%gather3A_619] in [0] : vector<16xf32>, vector<16xi32> -> vector<16xf32>
        %add3A_621 = arith.addf %add3A_618, %gather3A_620 : vector<16xf32>
        %gather3A_622 = vector.shape_cast %reshape3A_9 : vector<16x1xi32> to vector<16xi32>
        %gather3A_623 = tpu.dynamic_gather %add3A_621[%gather3A_622] in [0] : vector<16xf32>, vector<16xi32> -> vector<16xf32>
        %add3A_624 = arith.addf %add3A_621, %gather3A_623 : vector<16xf32>
        %gather3A_625 = vector.shape_cast %reshape3A_14 : vector<16x1xi32> to vector<16xi32>
        %gather3A_626 = tpu.dynamic_gather %add3A_624[%gather3A_625] in [0] : vector<16xf32>, vector<16xi32> -> vector<16xf32>
        %add3A_627 = arith.addf %add3A_624, %gather3A_626 : vector<16xf32>
        %gather3A_628 = vector.shape_cast %reshape3A_19 : vector<16x1xi32> to vector<16xi32>
        %gather3A_629 = tpu.dynamic_gather %add3A_627[%gather3A_628] in [0] : vector<16xf32>, vector<16xi32> -> vector<16xf32>
        %add3A_630 = arith.addf %add3A_627, %gather3A_629 : vector<16xf32>
        %gt3A_631 = arith.cmpf ogt, %add3A_630, %max3A_535 : vector<16xf32>
        %add3A_632 = arith.addf %add3A_519, %get3A_547 : vector<16xf32>
        %add3A_633 = arith.addf %add3A_520, %get3A_555 : vector<16xf32>
        %add3A_634 = arith.addf %add3A_521, %get3A_563 : vector<16xf32>
        %add3A_635 = arith.addf %add3A_522, %get3A_571 : vector<16xf32>
        %add3A_636 = arith.addf %add3A_523, %get3A_579 : vector<16xf32>
        %add3A_637 = arith.addf %add3A_524, %get3A_587 : vector<16xf32>
        %add3A_638 = arith.addf %add3A_525, %get3A_595 : vector<16xf32>
        %add3A_639 = arith.addf %add3A_526, %get3A_603 : vector<16xf32>
        %select_n3A_640 = arith.select %gt3A_631, %get3A_547, %select_n3A_527 : vector<16xi1>, vector<16xf32>
        %select_n3A_641 = arith.select %gt3A_631, %get3A_555, %select_n3A_528 : vector<16xi1>, vector<16xf32>
        %select_n3A_642 = arith.select %gt3A_631, %get3A_563, %select_n3A_529 : vector<16xi1>, vector<16xf32>
        %select_n3A_643 = arith.select %gt3A_631, %get3A_571, %select_n3A_530 : vector<16xi1>, vector<16xf32>
        %select_n3A_644 = arith.select %gt3A_631, %get3A_579, %select_n3A_531 : vector<16xi1>, vector<16xf32>
        %select_n3A_645 = arith.select %gt3A_631, %get3A_587, %select_n3A_532 : vector<16xi1>, vector<16xf32>
        %select_n3A_646 = arith.select %gt3A_631, %get3A_595, %select_n3A_533 : vector<16xi1>, vector<16xf32>
        %select_n3A_647 = arith.select %gt3A_631, %get3A_603, %select_n3A_534 : vector<16xi1>, vector<16xf32>
        %max3A_648 = arith.maximumf %add3A_630, %max3A_535 : vector<16xf32>
        %mul3A_649 = arith.constant 8 : i32
        %mul3A_650 = arith.muli %scan3A_183, %mul3A_649 : i32
        %add3A_651 = arith.constant 4 : i32
        %add3A_652 = arith.addi %mul3A_650, %add3A_651 : i32
        %get3A_653 = arith.constant 0 : i32
        %get3A_654 = arith.constant 0 : i32
        %get3A_655 = tpu.memref_slice %arg7[%rem3A_80, %get3A_653, %get3A_654] : memref<4x104x128xf32, #tpu.memory_space<vmem>> -> memref<1x104x128xf32, #tpu.memory_space<vmem>>
        %get3A_656 = tpu.memref_squeeze %get3A_655 : memref<1x104x128xf32, #tpu.memory_space<vmem>> -> memref<104x128xf32, #tpu.memory_space<vmem>>
        %get3A_657 = arith.index_cast %add3A_652 : i32 to index
        %get3A_658 = arith.constant 0 : index
        %get3A_659 = tpu.vector_load %get3A_656[%get3A_657, %get3A_658] {strides = array<i32>} : memref<104x128xf32, #tpu.memory_space<vmem>>, vector<1x16xf32>,
        %get3A_660 = vector.shape_cast %get3A_659 : vector<1x16xf32> to vector<16xf32>
        %get3A_661 = arith.constant 0 : i32
        %get3A_662 = arith.constant 0 : i32
        %get3A_663 = tpu.memref_slice %arg7[%rem3A_80, %get3A_661, %get3A_662] : memref<4x104x128xf32, #tpu.memory_space<vmem>> -> memref<1x104x128xf32, #tpu.memory_space<vmem>>
        %get3A_664 = tpu.memref_squeeze %get3A_663 : memref<1x104x128xf32, #tpu.memory_space<vmem>> -> memref<104x128xf32, #tpu.memory_space<vmem>>
        %get3A_665 = arith.index_cast %add3A_652 : i32 to index
        %get3A_666 = arith.constant 16 : index
        %get3A_667 = tpu.vector_load %get3A_664[%get3A_665, %get3A_666] {strides = array<i32>} : memref<104x128xf32, #tpu.memory_space<vmem>>, vector<1x16xf32>,
        %get3A_668 = vector.shape_cast %get3A_667 : vector<1x16xf32> to vector<16xf32>
        %get3A_669 = arith.constant 0 : i32
        %get3A_670 = arith.constant 0 : i32
        %get3A_671 = tpu.memref_slice %arg7[%rem3A_80, %get3A_669, %get3A_670] : memref<4x104x128xf32, #tpu.memory_space<vmem>> -> memref<1x104x128xf32, #tpu.memory_space<vmem>>
        %get3A_672 = tpu.memref_squeeze %get3A_671 : memref<1x104x128xf32, #tpu.memory_space<vmem>> -> memref<104x128xf32, #tpu.memory_space<vmem>>
        %get3A_673 = arith.index_cast %add3A_652 : i32 to index
        %get3A_674 = arith.constant 32 : index
        %get3A_675 = tpu.vector_load %get3A_672[%get3A_673, %get3A_674] {strides = array<i32>} : memref<104x128xf32, #tpu.memory_space<vmem>>, vector<1x16xf32>,
        %get3A_676 = vector.shape_cast %get3A_675 : vector<1x16xf32> to vector<16xf32>
        %get3A_677 = arith.constant 0 : i32
        %get3A_678 = arith.constant 0 : i32
        %get3A_679 = tpu.memref_slice %arg7[%rem3A_80, %get3A_677, %get3A_678] : memref<4x104x128xf32, #tpu.memory_space<vmem>> -> memref<1x104x128xf32, #tpu.memory_space<vmem>>
        %get3A_680 = tpu.memref_squeeze %get3A_679 : memref<1x104x128xf32, #tpu.memory_space<vmem>> -> memref<104x128xf32, #tpu.memory_space<vmem>>
        %get3A_681 = arith.index_cast %add3A_652 : i32 to index
        %get3A_682 = arith.constant 48 : index
        %get3A_683 = tpu.vector_load %get3A_680[%get3A_681, %get3A_682] {strides = array<i32>} : memref<104x128xf32, #tpu.memory_space<vmem>>, vector<1x16xf32>,
        %get3A_684 = vector.shape_cast %get3A_683 : vector<1x16xf32> to vector<16xf32>
        %get3A_685 = arith.constant 0 : i32
        %get3A_686 = arith.constant 0 : i32
        %get3A_687 = tpu.memref_slice %arg7[%rem3A_80, %get3A_685, %get3A_686] : memref<4x104x128xf32, #tpu.memory_space<vmem>> -> memref<1x104x128xf32, #tpu.memory_space<vmem>>
        %get3A_688 = tpu.memref_squeeze %get3A_687 : memref<1x104x128xf32, #tpu.memory_space<vmem>> -> memref<104x128xf32, #tpu.memory_space<vmem>>
        %get3A_689 = arith.index_cast %add3A_652 : i32 to index
        %get3A_690 = arith.constant 64 : index
        %get3A_691 = tpu.vector_load %get3A_688[%get3A_689, %get3A_690] {strides = array<i32>} : memref<104x128xf32, #tpu.memory_space<vmem>>, vector<1x16xf32>,
        %get3A_692 = vector.shape_cast %get3A_691 : vector<1x16xf32> to vector<16xf32>
        %get3A_693 = arith.constant 0 : i32
        %get3A_694 = arith.constant 0 : i32
        %get3A_695 = tpu.memref_slice %arg7[%rem3A_80, %get3A_693, %get3A_694] : memref<4x104x128xf32, #tpu.memory_space<vmem>> -> memref<1x104x128xf32, #tpu.memory_space<vmem>>
        %get3A_696 = tpu.memref_squeeze %get3A_695 : memref<1x104x128xf32, #tpu.memory_space<vmem>> -> memref<104x128xf32, #tpu.memory_space<vmem>>
        %get3A_697 = arith.index_cast %add3A_652 : i32 to index
        %get3A_698 = arith.constant 80 : index
        %get3A_699 = tpu.vector_load %get3A_696[%get3A_697, %get3A_698] {strides = array<i32>} : memref<104x128xf32, #tpu.memory_space<vmem>>, vector<1x16xf32>,
        %get3A_700 = vector.shape_cast %get3A_699 : vector<1x16xf32> to vector<16xf32>
        %get3A_701 = arith.constant 0 : i32
        %get3A_702 = arith.constant 0 : i32
        %get3A_703 = tpu.memref_slice %arg7[%rem3A_80, %get3A_701, %get3A_702] : memref<4x104x128xf32, #tpu.memory_space<vmem>> -> memref<1x104x128xf32, #tpu.memory_space<vmem>>
        %get3A_704 = tpu.memref_squeeze %get3A_703 : memref<1x104x128xf32, #tpu.memory_space<vmem>> -> memref<104x128xf32, #tpu.memory_space<vmem>>
        %get3A_705 = arith.index_cast %add3A_652 : i32 to index
        %get3A_706 = arith.constant 96 : index
        %get3A_707 = tpu.vector_load %get3A_704[%get3A_705, %get3A_706] {strides = array<i32>} : memref<104x128xf32, #tpu.memory_space<vmem>>, vector<1x16xf32>,
        %get3A_708 = vector.shape_cast %get3A_707 : vector<1x16xf32> to vector<16xf32>
        %get3A_709 = arith.constant 0 : i32
        %get3A_710 = arith.constant 0 : i32
        %get3A_711 = tpu.memref_slice %arg7[%rem3A_80, %get3A_709, %get3A_710] : memref<4x104x128xf32, #tpu.memory_space<vmem>> -> memref<1x104x128xf32, #tpu.memory_space<vmem>>
        %get3A_712 = tpu.memref_squeeze %get3A_711 : memref<1x104x128xf32, #tpu.memory_space<vmem>> -> memref<104x128xf32, #tpu.memory_space<vmem>>
        %get3A_713 = arith.index_cast %add3A_652 : i32 to index
        %get3A_714 = arith.constant 112 : index
        %get3A_715 = tpu.vector_load %get3A_712[%get3A_713, %get3A_714] {strides = array<i32>} : memref<104x128xf32, #tpu.memory_space<vmem>>, vector<1x16xf32>,
        %get3A_716 = vector.shape_cast %get3A_715 : vector<1x16xf32> to vector<16xf32>
        %mul3A_717 = arith.mulf %get3A_660, %get3A_660 : vector<16xf32>
        %mul3A_718 = arith.mulf %get3A_668, %get3A_668 : vector<16xf32>
        %add3A_719 = arith.addf %mul3A_717, %mul3A_718 : vector<16xf32>
        %mul3A_720 = arith.mulf %get3A_676, %get3A_676 : vector<16xf32>
        %add3A_721 = arith.addf %add3A_719, %mul3A_720 : vector<16xf32>
        %mul3A_722 = arith.mulf %get3A_684, %get3A_684 : vector<16xf32>
        %add3A_723 = arith.addf %add3A_721, %mul3A_722 : vector<16xf32>
        %mul3A_724 = arith.mulf %get3A_692, %get3A_692 : vector<16xf32>
        %add3A_725 = arith.addf %add3A_723, %mul3A_724 : vector<16xf32>
        %mul3A_726 = arith.mulf %get3A_700, %get3A_700 : vector<16xf32>
        %add3A_727 = arith.addf %add3A_725, %mul3A_726 : vector<16xf32>
        %mul3A_728 = arith.mulf %get3A_708, %get3A_708 : vector<16xf32>
        %add3A_729 = arith.addf %add3A_727, %mul3A_728 : vector<16xf32>
        %mul3A_730 = arith.mulf %get3A_716, %get3A_716 : vector<16xf32>
        %add3A_731 = arith.addf %add3A_729, %mul3A_730 : vector<16xf32>
        %gather3A_732 = vector.shape_cast %reshape3A : vector<16x1xi32> to vector<16xi32>
        %gather3A_733 = tpu.dynamic_gather %add3A_731[%gather3A_732] in [0] : vector<16xf32>, vector<16xi32> -> vector<16xf32>
        %add3A_734 = arith.addf %add3A_731, %gather3A_733 : vector<16xf32>
        %gather3A_735 = vector.shape_cast %reshape3A_9 : vector<16x1xi32> to vector<16xi32>
        %gather3A_736 = tpu.dynamic_gather %add3A_734[%gather3A_735] in [0] : vector<16xf32>, vector<16xi32> -> vector<16xf32>
        %add3A_737 = arith.addf %add3A_734, %gather3A_736 : vector<16xf32>
        %gather3A_738 = vector.shape_cast %reshape3A_14 : vector<16x1xi32> to vector<16xi32>
        %gather3A_739 = tpu.dynamic_gather %add3A_737[%gather3A_738] in [0] : vector<16xf32>, vector<16xi32> -> vector<16xf32>
        %add3A_740 = arith.addf %add3A_737, %gather3A_739 : vector<16xf32>
        %gather3A_741 = vector.shape_cast %reshape3A_19 : vector<16x1xi32> to vector<16xi32>
        %gather3A_742 = tpu.dynamic_gather %add3A_740[%gather3A_741] in [0] : vector<16xf32>, vector<16xi32> -> vector<16xf32>
        %add3A_743 = arith.addf %add3A_740, %gather3A_742 : vector<16xf32>
        %gt3A_744 = arith.cmpf ogt, %add3A_743, %max3A_648 : vector<16xf32>
        %add3A_745 = arith.addf %add3A_632, %get3A_660 : vector<16xf32>
        %add3A_746 = arith.addf %add3A_633, %get3A_668 : vector<16xf32>
        %add3A_747 = arith.addf %add3A_634, %get3A_676 : vector<16xf32>
        %add3A_748 = arith.addf %add3A_635, %get3A_684 : vector<16xf32>
        %add3A_749 = arith.addf %add3A_636, %get3A_692 : vector<16xf32>
        %add3A_750 = arith.addf %add3A_637, %get3A_700 : vector<16xf32>
        %add3A_751 = arith.addf %add3A_638, %get3A_708 : vector<16xf32>
        %add3A_752 = arith.addf %add3A_639, %get3A_716 : vector<16xf32>
        %select_n3A_753 = arith.select %gt3A_744, %get3A_660, %select_n3A_640 : vector<16xi1>, vector<16xf32>
        %select_n3A_754 = arith.select %gt3A_744, %get3A_668, %select_n3A_641 : vector<16xi1>, vector<16xf32>
        %select_n3A_755 = arith.select %gt3A_744, %get3A_676, %select_n3A_642 : vector<16xi1>, vector<16xf32>
        %select_n3A_756 = arith.select %gt3A_744, %get3A_684, %select_n3A_643 : vector<16xi1>, vector<16xf32>
        %select_n3A_757 = arith.select %gt3A_744, %get3A_692, %select_n3A_644 : vector<16xi1>, vector<16xf32>
        %select_n3A_758 = arith.select %gt3A_744, %get3A_700, %select_n3A_645 : vector<16xi1>, vector<16xf32>
        %select_n3A_759 = arith.select %gt3A_744, %get3A_708, %select_n3A_646 : vector<16xi1>, vector<16xf32>
        %select_n3A_760 = arith.select %gt3A_744, %get3A_716, %select_n3A_647 : vector<16xi1>, vector<16xf32>
        %max3A_761 = arith.maximumf %add3A_743, %max3A_648 : vector<16xf32>
        %mul3A_762 = arith.constant 8 : i32
        %mul3A_763 = arith.muli %scan3A_183, %mul3A_762 : i32
        %add3A_764 = arith.constant 5 : i32
        %add3A_765 = arith.addi %mul3A_763, %add3A_764 : i32
        %get3A_766 = arith.constant 0 : i32
        %get3A_767 = arith.constant 0 : i32
        %get3A_768 = tpu.memref_slice %arg7[%rem3A_80, %get3A_766, %get3A_767] : memref<4x104x128xf32, #tpu.memory_space<vmem>> -> memref<1x104x128xf32, #tpu.memory_space<vmem>>
        %get3A_769 = tpu.memref_squeeze %get3A_768 : memref<1x104x128xf32, #tpu.memory_space<vmem>> -> memref<104x128xf32, #tpu.memory_space<vmem>>
        %get3A_770 = arith.index_cast %add3A_765 : i32 to index
        %get3A_771 = arith.constant 0 : index
        %get3A_772 = tpu.vector_load %get3A_769[%get3A_770, %get3A_771] {strides = array<i32>} : memref<104x128xf32, #tpu.memory_space<vmem>>, vector<1x16xf32>,
        %get3A_773 = vector.shape_cast %get3A_772 : vector<1x16xf32> to vector<16xf32>
        %get3A_774 = arith.constant 0 : i32
        %get3A_775 = arith.constant 0 : i32
        %get3A_776 = tpu.memref_slice %arg7[%rem3A_80, %get3A_774, %get3A_775] : memref<4x104x128xf32, #tpu.memory_space<vmem>> -> memref<1x104x128xf32, #tpu.memory_space<vmem>>
        %get3A_777 = tpu.memref_squeeze %get3A_776 : memref<1x104x128xf32, #tpu.memory_space<vmem>> -> memref<104x128xf32, #tpu.memory_space<vmem>>
        %get3A_778 = arith.index_cast %add3A_765 : i32 to index
        %get3A_779 = arith.constant 16 : index
        %get3A_780 = tpu.vector_load %get3A_777[%get3A_778, %get3A_779] {strides = array<i32>} : memref<104x128xf32, #tpu.memory_space<vmem>>, vector<1x16xf32>,
        %get3A_781 = vector.shape_cast %get3A_780 : vector<1x16xf32> to vector<16xf32>
        %get3A_782 = arith.constant 0 : i32
        %get3A_783 = arith.constant 0 : i32
        %get3A_784 = tpu.memref_slice %arg7[%rem3A_80, %get3A_782, %get3A_783] : memref<4x104x128xf32, #tpu.memory_space<vmem>> -> memref<1x104x128xf32, #tpu.memory_space<vmem>>
        %get3A_785 = tpu.memref_squeeze %get3A_784 : memref<1x104x128xf32, #tpu.memory_space<vmem>> -> memref<104x128xf32, #tpu.memory_space<vmem>>
        %get3A_786 = arith.index_cast %add3A_765 : i32 to index
        %get3A_787 = arith.constant 32 : index
        %get3A_788 = tpu.vector_load %get3A_785[%get3A_786, %get3A_787] {strides = array<i32>} : memref<104x128xf32, #tpu.memory_space<vmem>>, vector<1x16xf32>,
        %get3A_789 = vector.shape_cast %get3A_788 : vector<1x16xf32> to vector<16xf32>
        %get3A_790 = arith.constant 0 : i32
        %get3A_791 = arith.constant 0 : i32
        %get3A_792 = tpu.memref_slice %arg7[%rem3A_80, %get3A_790, %get3A_791] : memref<4x104x128xf32, #tpu.memory_space<vmem>> -> memref<1x104x128xf32, #tpu.memory_space<vmem>>
        %get3A_793 = tpu.memref_squeeze %get3A_792 : memref<1x104x128xf32, #tpu.memory_space<vmem>> -> memref<104x128xf32, #tpu.memory_space<vmem>>
        %get3A_794 = arith.index_cast %add3A_765 : i32 to index
        %get3A_795 = arith.constant 48 : index
        %get3A_796 = tpu.vector_load %get3A_793[%get3A_794, %get3A_795] {strides = array<i32>} : memref<104x128xf32, #tpu.memory_space<vmem>>, vector<1x16xf32>,
        %get3A_797 = vector.shape_cast %get3A_796 : vector<1x16xf32> to vector<16xf32>
        %get3A_798 = arith.constant 0 : i32
        %get3A_799 = arith.constant 0 : i32
        %get3A_800 = tpu.memref_slice %arg7[%rem3A_80, %get3A_798, %get3A_799] : memref<4x104x128xf32, #tpu.memory_space<vmem>> -> memref<1x104x128xf32, #tpu.memory_space<vmem>>
        %get3A_801 = tpu.memref_squeeze %get3A_800 : memref<1x104x128xf32, #tpu.memory_space<vmem>> -> memref<104x128xf32, #tpu.memory_space<vmem>>
        %get3A_802 = arith.index_cast %add3A_765 : i32 to index
        %get3A_803 = arith.constant 64 : index
        %get3A_804 = tpu.vector_load %get3A_801[%get3A_802, %get3A_803] {strides = array<i32>} : memref<104x128xf32, #tpu.memory_space<vmem>>, vector<1x16xf32>,
        %get3A_805 = vector.shape_cast %get3A_804 : vector<1x16xf32> to vector<16xf32>
        %get3A_806 = arith.constant 0 : i32
        %get3A_807 = arith.constant 0 : i32
        %get3A_808 = tpu.memref_slice %arg7[%rem3A_80, %get3A_806, %get3A_807] : memref<4x104x128xf32, #tpu.memory_space<vmem>> -> memref<1x104x128xf32, #tpu.memory_space<vmem>>
        %get3A_809 = tpu.memref_squeeze %get3A_808 : memref<1x104x128xf32, #tpu.memory_space<vmem>> -> memref<104x128xf32, #tpu.memory_space<vmem>>
        %get3A_810 = arith.index_cast %add3A_765 : i32 to index
        %get3A_811 = arith.constant 80 : index
        %get3A_812 = tpu.vector_load %get3A_809[%get3A_810, %get3A_811] {strides = array<i32>} : memref<104x128xf32, #tpu.memory_space<vmem>>, vector<1x16xf32>,
        %get3A_813 = vector.shape_cast %get3A_812 : vector<1x16xf32> to vector<16xf32>
        %get3A_814 = arith.constant 0 : i32
        %get3A_815 = arith.constant 0 : i32
        %get3A_816 = tpu.memref_slice %arg7[%rem3A_80, %get3A_814, %get3A_815] : memref<4x104x128xf32, #tpu.memory_space<vmem>> -> memref<1x104x128xf32, #tpu.memory_space<vmem>>
        %get3A_817 = tpu.memref_squeeze %get3A_816 : memref<1x104x128xf32, #tpu.memory_space<vmem>> -> memref<104x128xf32, #tpu.memory_space<vmem>>
        %get3A_818 = arith.index_cast %add3A_765 : i32 to index
        %get3A_819 = arith.constant 96 : index
        %get3A_820 = tpu.vector_load %get3A_817[%get3A_818, %get3A_819] {strides = array<i32>} : memref<104x128xf32, #tpu.memory_space<vmem>>, vector<1x16xf32>,
        %get3A_821 = vector.shape_cast %get3A_820 : vector<1x16xf32> to vector<16xf32>
        %get3A_822 = arith.constant 0 : i32
        %get3A_823 = arith.constant 0 : i32
        %get3A_824 = tpu.memref_slice %arg7[%rem3A_80, %get3A_822, %get3A_823] : memref<4x104x128xf32, #tpu.memory_space<vmem>> -> memref<1x104x128xf32, #tpu.memory_space<vmem>>
        %get3A_825 = tpu.memref_squeeze %get3A_824 : memref<1x104x128xf32, #tpu.memory_space<vmem>> -> memref<104x128xf32, #tpu.memory_space<vmem>>
        %get3A_826 = arith.index_cast %add3A_765 : i32 to index
        %get3A_827 = arith.constant 112 : index
        %get3A_828 = tpu.vector_load %get3A_825[%get3A_826, %get3A_827] {strides = array<i32>} : memref<104x128xf32, #tpu.memory_space<vmem>>, vector<1x16xf32>,
        %get3A_829 = vector.shape_cast %get3A_828 : vector<1x16xf32> to vector<16xf32>
        %mul3A_830 = arith.mulf %get3A_773, %get3A_773 : vector<16xf32>
        %mul3A_831 = arith.mulf %get3A_781, %get3A_781 : vector<16xf32>
        %add3A_832 = arith.addf %mul3A_830, %mul3A_831 : vector<16xf32>
        %mul3A_833 = arith.mulf %get3A_789, %get3A_789 : vector<16xf32>
        %add3A_834 = arith.addf %add3A_832, %mul3A_833 : vector<16xf32>
        %mul3A_835 = arith.mulf %get3A_797, %get3A_797 : vector<16xf32>
        %add3A_836 = arith.addf %add3A_834, %mul3A_835 : vector<16xf32>
        %mul3A_837 = arith.mulf %get3A_805, %get3A_805 : vector<16xf32>
        %add3A_838 = arith.addf %add3A_836, %mul3A_837 : vector<16xf32>
        %mul3A_839 = arith.mulf %get3A_813, %get3A_813 : vector<16xf32>
        %add3A_840 = arith.addf %add3A_838, %mul3A_839 : vector<16xf32>
        %mul3A_841 = arith.mulf %get3A_821, %get3A_821 : vector<16xf32>
        %add3A_842 = arith.addf %add3A_840, %mul3A_841 : vector<16xf32>
        %mul3A_843 = arith.mulf %get3A_829, %get3A_829 : vector<16xf32>
        %add3A_844 = arith.addf %add3A_842, %mul3A_843 : vector<16xf32>
        %gather3A_845 = vector.shape_cast %reshape3A : vector<16x1xi32> to vector<16xi32>
        %gather3A_846 = tpu.dynamic_gather %add3A_844[%gather3A_845] in [0] : vector<16xf32>, vector<16xi32> -> vector<16xf32>
        %add3A_847 = arith.addf %add3A_844, %gather3A_846 : vector<16xf32>
        %gather3A_848 = vector.shape_cast %reshape3A_9 : vector<16x1xi32> to vector<16xi32>
        %gather3A_849 = tpu.dynamic_gather %add3A_847[%gather3A_848] in [0] : vector<16xf32>, vector<16xi32> -> vector<16xf32>
        %add3A_850 = arith.addf %add3A_847, %gather3A_849 : vector<16xf32>
        %gather3A_851 = vector.shape_cast %reshape3A_14 : vector<16x1xi32> to vector<16xi32>
        %gather3A_852 = tpu.dynamic_gather %add3A_850[%gather3A_851] in [0] : vector<16xf32>, vector<16xi32> -> vector<16xf32>
        %add3A_853 = arith.addf %add3A_850, %gather3A_852 : vector<16xf32>
        %gather3A_854 = vector.shape_cast %reshape3A_19 : vector<16x1xi32> to vector<16xi32>
        %gather3A_855 = tpu.dynamic_gather %add3A_853[%gather3A_854] in [0] : vector<16xf32>, vector<16xi32> -> vector<16xf32>
        %add3A_856 = arith.addf %add3A_853, %gather3A_855 : vector<16xf32>
        %gt3A_857 = arith.cmpf ogt, %add3A_856, %max3A_761 : vector<16xf32>
        %add3A_858 = arith.addf %add3A_745, %get3A_773 : vector<16xf32>
        %add3A_859 = arith.addf %add3A_746, %get3A_781 : vector<16xf32>
        %add3A_860 = arith.addf %add3A_747, %get3A_789 : vector<16xf32>
        %add3A_861 = arith.addf %add3A_748, %get3A_797 : vector<16xf32>
        %add3A_862 = arith.addf %add3A_749, %get3A_805 : vector<16xf32>
        %add3A_863 = arith.addf %add3A_750, %get3A_813 : vector<16xf32>
        %add3A_864 = arith.addf %add3A_751, %get3A_821 : vector<16xf32>
        %add3A_865 = arith.addf %add3A_752, %get3A_829 : vector<16xf32>
        %select_n3A_866 = arith.select %gt3A_857, %get3A_773, %select_n3A_753 : vector<16xi1>, vector<16xf32>
        %select_n3A_867 = arith.select %gt3A_857, %get3A_781, %select_n3A_754 : vector<16xi1>, vector<16xf32>
        %select_n3A_868 = arith.select %gt3A_857, %get3A_789, %select_n3A_755 : vector<16xi1>, vector<16xf32>
        %select_n3A_869 = arith.select %gt3A_857, %get3A_797, %select_n3A_756 : vector<16xi1>, vector<16xf32>
        %select_n3A_870 = arith.select %gt3A_857, %get3A_805, %select_n3A_757 : vector<16xi1>, vector<16xf32>
        %select_n3A_871 = arith.select %gt3A_857, %get3A_813, %select_n3A_758 : vector<16xi1>, vector<16xf32>
        %select_n3A_872 = arith.select %gt3A_857, %get3A_821, %select_n3A_759 : vector<16xi1>, vector<16xf32>
        %select_n3A_873 = arith.select %gt3A_857, %get3A_829, %select_n3A_760 : vector<16xi1>, vector<16xf32>
        %max3A_874 = arith.maximumf %add3A_856, %max3A_761 : vector<16xf32>
        %mul3A_875 = arith.constant 8 : i32
        %mul3A_876 = arith.muli %scan3A_183, %mul3A_875 : i32
        %add3A_877 = arith.constant 6 : i32
        %add3A_878 = arith.addi %mul3A_876, %add3A_877 : i32
        %get3A_879 = arith.constant 0 : i32
        %get3A_880 = arith.constant 0 : i32
        %get3A_881 = tpu.memref_slice %arg7[%rem3A_80, %get3A_879, %get3A_880] : memref<4x104x128xf32, #tpu.memory_space<vmem>> -> memref<1x104x128xf32, #tpu.memory_space<vmem>>
        %get3A_882 = tpu.memref_squeeze %get3A_881 : memref<1x104x128xf32, #tpu.memory_space<vmem>> -> memref<104x128xf32, #tpu.memory_space<vmem>>
        %get3A_883 = arith.index_cast %add3A_878 : i32 to index
        %get3A_884 = arith.constant 0 : index
        %get3A_885 = tpu.vector_load %get3A_882[%get3A_883, %get3A_884] {strides = array<i32>} : memref<104x128xf32, #tpu.memory_space<vmem>>, vector<1x16xf32>,
        %get3A_886 = vector.shape_cast %get3A_885 : vector<1x16xf32> to vector<16xf32>
        %get3A_887 = arith.constant 0 : i32
        %get3A_888 = arith.constant 0 : i32
        %get3A_889 = tpu.memref_slice %arg7[%rem3A_80, %get3A_887, %get3A_888] : memref<4x104x128xf32, #tpu.memory_space<vmem>> -> memref<1x104x128xf32, #tpu.memory_space<vmem>>
        %get3A_890 = tpu.memref_squeeze %get3A_889 : memref<1x104x128xf32, #tpu.memory_space<vmem>> -> memref<104x128xf32, #tpu.memory_space<vmem>>
        %get3A_891 = arith.index_cast %add3A_878 : i32 to index
        %get3A_892 = arith.constant 16 : index
        %get3A_893 = tpu.vector_load %get3A_890[%get3A_891, %get3A_892] {strides = array<i32>} : memref<104x128xf32, #tpu.memory_space<vmem>>, vector<1x16xf32>,
        %get3A_894 = vector.shape_cast %get3A_893 : vector<1x16xf32> to vector<16xf32>
        %get3A_895 = arith.constant 0 : i32
        %get3A_896 = arith.constant 0 : i32
        %get3A_897 = tpu.memref_slice %arg7[%rem3A_80, %get3A_895, %get3A_896] : memref<4x104x128xf32, #tpu.memory_space<vmem>> -> memref<1x104x128xf32, #tpu.memory_space<vmem>>
        %get3A_898 = tpu.memref_squeeze %get3A_897 : memref<1x104x128xf32, #tpu.memory_space<vmem>> -> memref<104x128xf32, #tpu.memory_space<vmem>>
        %get3A_899 = arith.index_cast %add3A_878 : i32 to index
        %get3A_900 = arith.constant 32 : index
        %get3A_901 = tpu.vector_load %get3A_898[%get3A_899, %get3A_900] {strides = array<i32>} : memref<104x128xf32, #tpu.memory_space<vmem>>, vector<1x16xf32>,
        %get3A_902 = vector.shape_cast %get3A_901 : vector<1x16xf32> to vector<16xf32>
        %get3A_903 = arith.constant 0 : i32
        %get3A_904 = arith.constant 0 : i32
        %get3A_905 = tpu.memref_slice %arg7[%rem3A_80, %get3A_903, %get3A_904] : memref<4x104x128xf32, #tpu.memory_space<vmem>> -> memref<1x104x128xf32, #tpu.memory_space<vmem>>
        %get3A_906 = tpu.memref_squeeze %get3A_905 : memref<1x104x128xf32, #tpu.memory_space<vmem>> -> memref<104x128xf32, #tpu.memory_space<vmem>>
        %get3A_907 = arith.index_cast %add3A_878 : i32 to index
        %get3A_908 = arith.constant 48 : index
        %get3A_909 = tpu.vector_load %get3A_906[%get3A_907, %get3A_908] {strides = array<i32>} : memref<104x128xf32, #tpu.memory_space<vmem>>, vector<1x16xf32>,
        %get3A_910 = vector.shape_cast %get3A_909 : vector<1x16xf32> to vector<16xf32>
        %get3A_911 = arith.constant 0 : i32
        %get3A_912 = arith.constant 0 : i32
        %get3A_913 = tpu.memref_slice %arg7[%rem3A_80, %get3A_911, %get3A_912] : memref<4x104x128xf32, #tpu.memory_space<vmem>> -> memref<1x104x128xf32, #tpu.memory_space<vmem>>
        %get3A_914 = tpu.memref_squeeze %get3A_913 : memref<1x104x128xf32, #tpu.memory_space<vmem>> -> memref<104x128xf32, #tpu.memory_space<vmem>>
        %get3A_915 = arith.index_cast %add3A_878 : i32 to index
        %get3A_916 = arith.constant 64 : index
        %get3A_917 = tpu.vector_load %get3A_914[%get3A_915, %get3A_916] {strides = array<i32>} : memref<104x128xf32, #tpu.memory_space<vmem>>, vector<1x16xf32>,
        %get3A_918 = vector.shape_cast %get3A_917 : vector<1x16xf32> to vector<16xf32>
        %get3A_919 = arith.constant 0 : i32
        %get3A_920 = arith.constant 0 : i32
        %get3A_921 = tpu.memref_slice %arg7[%rem3A_80, %get3A_919, %get3A_920] : memref<4x104x128xf32, #tpu.memory_space<vmem>> -> memref<1x104x128xf32, #tpu.memory_space<vmem>>
        %get3A_922 = tpu.memref_squeeze %get3A_921 : memref<1x104x128xf32, #tpu.memory_space<vmem>> -> memref<104x128xf32, #tpu.memory_space<vmem>>
        %get3A_923 = arith.index_cast %add3A_878 : i32 to index
        %get3A_924 = arith.constant 80 : index
        %get3A_925 = tpu.vector_load %get3A_922[%get3A_923, %get3A_924] {strides = array<i32>} : memref<104x128xf32, #tpu.memory_space<vmem>>, vector<1x16xf32>,
        %get3A_926 = vector.shape_cast %get3A_925 : vector<1x16xf32> to vector<16xf32>
        %get3A_927 = arith.constant 0 : i32
        %get3A_928 = arith.constant 0 : i32
        %get3A_929 = tpu.memref_slice %arg7[%rem3A_80, %get3A_927, %get3A_928] : memref<4x104x128xf32, #tpu.memory_space<vmem>> -> memref<1x104x128xf32, #tpu.memory_space<vmem>>
        %get3A_930 = tpu.memref_squeeze %get3A_929 : memref<1x104x128xf32, #tpu.memory_space<vmem>> -> memref<104x128xf32, #tpu.memory_space<vmem>>
        %get3A_931 = arith.index_cast %add3A_878 : i32 to index
        %get3A_932 = arith.constant 96 : index
        %get3A_933 = tpu.vector_load %get3A_930[%get3A_931, %get3A_932] {strides = array<i32>} : memref<104x128xf32, #tpu.memory_space<vmem>>, vector<1x16xf32>,
        %get3A_934 = vector.shape_cast %get3A_933 : vector<1x16xf32> to vector<16xf32>
        %get3A_935 = arith.constant 0 : i32
        %get3A_936 = arith.constant 0 : i32
        %get3A_937 = tpu.memref_slice %arg7[%rem3A_80, %get3A_935, %get3A_936] : memref<4x104x128xf32, #tpu.memory_space<vmem>> -> memref<1x104x128xf32, #tpu.memory_space<vmem>>
        %get3A_938 = tpu.memref_squeeze %get3A_937 : memref<1x104x128xf32, #tpu.memory_space<vmem>> -> memref<104x128xf32, #tpu.memory_space<vmem>>
        %get3A_939 = arith.index_cast %add3A_878 : i32 to index
        %get3A_940 = arith.constant 112 : index
        %get3A_941 = tpu.vector_load %get3A_938[%get3A_939, %get3A_940] {strides = array<i32>} : memref<104x128xf32, #tpu.memory_space<vmem>>, vector<1x16xf32>,
        %get3A_942 = vector.shape_cast %get3A_941 : vector<1x16xf32> to vector<16xf32>
        %mul3A_943 = arith.mulf %get3A_886, %get3A_886 : vector<16xf32>
        %mul3A_944 = arith.mulf %get3A_894, %get3A_894 : vector<16xf32>
        %add3A_945 = arith.addf %mul3A_943, %mul3A_944 : vector<16xf32>
        %mul3A_946 = arith.mulf %get3A_902, %get3A_902 : vector<16xf32>
        %add3A_947 = arith.addf %add3A_945, %mul3A_946 : vector<16xf32>
        %mul3A_948 = arith.mulf %get3A_910, %get3A_910 : vector<16xf32>
        %add3A_949 = arith.addf %add3A_947, %mul3A_948 : vector<16xf32>
        %mul3A_950 = arith.mulf %get3A_918, %get3A_918 : vector<16xf32>
        %add3A_951 = arith.addf %add3A_949, %mul3A_950 : vector<16xf32>
        %mul3A_952 = arith.mulf %get3A_926, %get3A_926 : vector<16xf32>
        %add3A_953 = arith.addf %add3A_951, %mul3A_952 : vector<16xf32>
        %mul3A_954 = arith.mulf %get3A_934, %get3A_934 : vector<16xf32>
        %add3A_955 = arith.addf %add3A_953, %mul3A_954 : vector<16xf32>
        %mul3A_956 = arith.mulf %get3A_942, %get3A_942 : vector<16xf32>
        %add3A_957 = arith.addf %add3A_955, %mul3A_956 : vector<16xf32>
        %gather3A_958 = vector.shape_cast %reshape3A : vector<16x1xi32> to vector<16xi32>
        %gather3A_959 = tpu.dynamic_gather %add3A_957[%gather3A_958] in [0] : vector<16xf32>, vector<16xi32> -> vector<16xf32>
        %add3A_960 = arith.addf %add3A_957, %gather3A_959 : vector<16xf32>
        %gather3A_961 = vector.shape_cast %reshape3A_9 : vector<16x1xi32> to vector<16xi32>
        %gather3A_962 = tpu.dynamic_gather %add3A_960[%gather3A_961] in [0] : vector<16xf32>, vector<16xi32> -> vector<16xf32>
        %add3A_963 = arith.addf %add3A_960, %gather3A_962 : vector<16xf32>
        %gather3A_964 = vector.shape_cast %reshape3A_14 : vector<16x1xi32> to vector<16xi32>
        %gather3A_965 = tpu.dynamic_gather %add3A_963[%gather3A_964] in [0] : vector<16xf32>, vector<16xi32> -> vector<16xf32>
        %add3A_966 = arith.addf %add3A_963, %gather3A_965 : vector<16xf32>
        %gather3A_967 = vector.shape_cast %reshape3A_19 : vector<16x1xi32> to vector<16xi32>
        %gather3A_968 = tpu.dynamic_gather %add3A_966[%gather3A_967] in [0] : vector<16xf32>, vector<16xi32> -> vector<16xf32>
        %add3A_969 = arith.addf %add3A_966, %gather3A_968 : vector<16xf32>
        %gt3A_970 = arith.cmpf ogt, %add3A_969, %max3A_874 : vector<16xf32>
        %add3A_971 = arith.addf %add3A_858, %get3A_886 : vector<16xf32>
        %add3A_972 = arith.addf %add3A_859, %get3A_894 : vector<16xf32>
        %add3A_973 = arith.addf %add3A_860, %get3A_902 : vector<16xf32>
        %add3A_974 = arith.addf %add3A_861, %get3A_910 : vector<16xf32>
        %add3A_975 = arith.addf %add3A_862, %get3A_918 : vector<16xf32>
        %add3A_976 = arith.addf %add3A_863, %get3A_926 : vector<16xf32>
        %add3A_977 = arith.addf %add3A_864, %get3A_934 : vector<16xf32>
        %add3A_978 = arith.addf %add3A_865, %get3A_942 : vector<16xf32>
        %select_n3A_979 = arith.select %gt3A_970, %get3A_886, %select_n3A_866 : vector<16xi1>, vector<16xf32>
        %select_n3A_980 = arith.select %gt3A_970, %get3A_894, %select_n3A_867 : vector<16xi1>, vector<16xf32>
        %select_n3A_981 = arith.select %gt3A_970, %get3A_902, %select_n3A_868 : vector<16xi1>, vector<16xf32>
        %select_n3A_982 = arith.select %gt3A_970, %get3A_910, %select_n3A_869 : vector<16xi1>, vector<16xf32>
        %select_n3A_983 = arith.select %gt3A_970, %get3A_918, %select_n3A_870 : vector<16xi1>, vector<16xf32>
        %select_n3A_984 = arith.select %gt3A_970, %get3A_926, %select_n3A_871 : vector<16xi1>, vector<16xf32>
        %select_n3A_985 = arith.select %gt3A_970, %get3A_934, %select_n3A_872 : vector<16xi1>, vector<16xf32>
        %select_n3A_986 = arith.select %gt3A_970, %get3A_942, %select_n3A_873 : vector<16xi1>, vector<16xf32>
        %max3A_987 = arith.maximumf %add3A_969, %max3A_874 : vector<16xf32>
        %mul3A_988 = arith.constant 8 : i32
        %mul3A_989 = arith.muli %scan3A_183, %mul3A_988 : i32
        %add3A_990 = arith.constant 7 : i32
        %add3A_991 = arith.addi %mul3A_989, %add3A_990 : i32
        %get3A_992 = arith.constant 0 : i32
        %get3A_993 = arith.constant 0 : i32
        %get3A_994 = tpu.memref_slice %arg7[%rem3A_80, %get3A_992, %get3A_993] : memref<4x104x128xf32, #tpu.memory_space<vmem>> -> memref<1x104x128xf32, #tpu.memory_space<vmem>>
        %get3A_995 = tpu.memref_squeeze %get3A_994 : memref<1x104x128xf32, #tpu.memory_space<vmem>> -> memref<104x128xf32, #tpu.memory_space<vmem>>
        %get3A_996 = arith.index_cast %add3A_991 : i32 to index
        %get3A_997 = arith.constant 0 : index
        %get3A_998 = tpu.vector_load %get3A_995[%get3A_996, %get3A_997] {strides = array<i32>} : memref<104x128xf32, #tpu.memory_space<vmem>>, vector<1x16xf32>,
        %get3A_999 = vector.shape_cast %get3A_998 : vector<1x16xf32> to vector<16xf32>
        %get3A_1000 = arith.constant 0 : i32
        %get3A_1001 = arith.constant 0 : i32
        %get3A_1002 = tpu.memref_slice %arg7[%rem3A_80, %get3A_1000, %get3A_1001] : memref<4x104x128xf32, #tpu.memory_space<vmem>> -> memref<1x104x128xf32, #tpu.memory_space<vmem>>
        %get3A_1003 = tpu.memref_squeeze %get3A_1002 : memref<1x104x128xf32, #tpu.memory_space<vmem>> -> memref<104x128xf32, #tpu.memory_space<vmem>>
        %get3A_1004 = arith.index_cast %add3A_991 : i32 to index
        %get3A_1005 = arith.constant 16 : index
        %get3A_1006 = tpu.vector_load %get3A_1003[%get3A_1004, %get3A_1005] {strides = array<i32>} : memref<104x128xf32, #tpu.memory_space<vmem>>, vector<1x16xf32>,
        %get3A_1007 = vector.shape_cast %get3A_1006 : vector<1x16xf32> to vector<16xf32>
        %get3A_1008 = arith.constant 0 : i32
        %get3A_1009 = arith.constant 0 : i32
        %get3A_1010 = tpu.memref_slice %arg7[%rem3A_80, %get3A_1008, %get3A_1009] : memref<4x104x128xf32, #tpu.memory_space<vmem>> -> memref<1x104x128xf32, #tpu.memory_space<vmem>>
        %get3A_1011 = tpu.memref_squeeze %get3A_1010 : memref<1x104x128xf32, #tpu.memory_space<vmem>> -> memref<104x128xf32, #tpu.memory_space<vmem>>
        %get3A_1012 = arith.index_cast %add3A_991 : i32 to index
        %get3A_1013 = arith.constant 32 : index
        %get3A_1014 = tpu.vector_load %get3A_1011[%get3A_1012, %get3A_1013] {strides = array<i32>} : memref<104x128xf32, #tpu.memory_space<vmem>>, vector<1x16xf32>,
        %get3A_1015 = vector.shape_cast %get3A_1014 : vector<1x16xf32> to vector<16xf32>
        %get3A_1016 = arith.constant 0 : i32
        %get3A_1017 = arith.constant 0 : i32
        %get3A_1018 = tpu.memref_slice %arg7[%rem3A_80, %get3A_1016, %get3A_1017] : memref<4x104x128xf32, #tpu.memory_space<vmem>> -> memref<1x104x128xf32, #tpu.memory_space<vmem>>
        %get3A_1019 = tpu.memref_squeeze %get3A_1018 : memref<1x104x128xf32, #tpu.memory_space<vmem>> -> memref<104x128xf32, #tpu.memory_space<vmem>>
        %get3A_1020 = arith.index_cast %add3A_991 : i32 to index
        %get3A_1021 = arith.constant 48 : index
        %get3A_1022 = tpu.vector_load %get3A_1019[%get3A_1020, %get3A_1021] {strides = array<i32>} : memref<104x128xf32, #tpu.memory_space<vmem>>, vector<1x16xf32>,
        %get3A_1023 = vector.shape_cast %get3A_1022 : vector<1x16xf32> to vector<16xf32>
        %get3A_1024 = arith.constant 0 : i32
        %get3A_1025 = arith.constant 0 : i32
        %get3A_1026 = tpu.memref_slice %arg7[%rem3A_80, %get3A_1024, %get3A_1025] : memref<4x104x128xf32, #tpu.memory_space<vmem>> -> memref<1x104x128xf32, #tpu.memory_space<vmem>>
        %get3A_1027 = tpu.memref_squeeze %get3A_1026 : memref<1x104x128xf32, #tpu.memory_space<vmem>> -> memref<104x128xf32, #tpu.memory_space<vmem>>
        %get3A_1028 = arith.index_cast %add3A_991 : i32 to index
        %get3A_1029 = arith.constant 64 : index
        %get3A_1030 = tpu.vector_load %get3A_1027[%get3A_1028, %get3A_1029] {strides = array<i32>} : memref<104x128xf32, #tpu.memory_space<vmem>>, vector<1x16xf32>,
        %get3A_1031 = vector.shape_cast %get3A_1030 : vector<1x16xf32> to vector<16xf32>
        %get3A_1032 = arith.constant 0 : i32
        %get3A_1033 = arith.constant 0 : i32
        %get3A_1034 = tpu.memref_slice %arg7[%rem3A_80, %get3A_1032, %get3A_1033] : memref<4x104x128xf32, #tpu.memory_space<vmem>> -> memref<1x104x128xf32, #tpu.memory_space<vmem>>
        %get3A_1035 = tpu.memref_squeeze %get3A_1034 : memref<1x104x128xf32, #tpu.memory_space<vmem>> -> memref<104x128xf32, #tpu.memory_space<vmem>>
        %get3A_1036 = arith.index_cast %add3A_991 : i32 to index
        %get3A_1037 = arith.constant 80 : index
        %get3A_1038 = tpu.vector_load %get3A_1035[%get3A_1036, %get3A_1037] {strides = array<i32>} : memref<104x128xf32, #tpu.memory_space<vmem>>, vector<1x16xf32>,
        %get3A_1039 = vector.shape_cast %get3A_1038 : vector<1x16xf32> to vector<16xf32>
        %get3A_1040 = arith.constant 0 : i32
        %get3A_1041 = arith.constant 0 : i32
        %get3A_1042 = tpu.memref_slice %arg7[%rem3A_80, %get3A_1040, %get3A_1041] : memref<4x104x128xf32, #tpu.memory_space<vmem>> -> memref<1x104x128xf32, #tpu.memory_space<vmem>>
        %get3A_1043 = tpu.memref_squeeze %get3A_1042 : memref<1x104x128xf32, #tpu.memory_space<vmem>> -> memref<104x128xf32, #tpu.memory_space<vmem>>
        %get3A_1044 = arith.index_cast %add3A_991 : i32 to index
        %get3A_1045 = arith.constant 96 : index
        %get3A_1046 = tpu.vector_load %get3A_1043[%get3A_1044, %get3A_1045] {strides = array<i32>} : memref<104x128xf32, #tpu.memory_space<vmem>>, vector<1x16xf32>,
        %get3A_1047 = vector.shape_cast %get3A_1046 : vector<1x16xf32> to vector<16xf32>
        %get3A_1048 = arith.constant 0 : i32
        %get3A_1049 = arith.constant 0 : i32
        %get3A_1050 = tpu.memref_slice %arg7[%rem3A_80, %get3A_1048, %get3A_1049] : memref<4x104x128xf32, #tpu.memory_space<vmem>> -> memref<1x104x128xf32, #tpu.memory_space<vmem>>
        %get3A_1051 = tpu.memref_squeeze %get3A_1050 : memref<1x104x128xf32, #tpu.memory_space<vmem>> -> memref<104x128xf32, #tpu.memory_space<vmem>>
        %get3A_1052 = arith.index_cast %add3A_991 : i32 to index
        %get3A_1053 = arith.constant 112 : index
        %get3A_1054 = tpu.vector_load %get3A_1051[%get3A_1052, %get3A_1053] {strides = array<i32>} : memref<104x128xf32, #tpu.memory_space<vmem>>, vector<1x16xf32>,
        %get3A_1055 = vector.shape_cast %get3A_1054 : vector<1x16xf32> to vector<16xf32>
        %mul3A_1056 = arith.mulf %get3A_999, %get3A_999 : vector<16xf32>
        %mul3A_1057 = arith.mulf %get3A_1007, %get3A_1007 : vector<16xf32>
        %add3A_1058 = arith.addf %mul3A_1056, %mul3A_1057 : vector<16xf32>
        %mul3A_1059 = arith.mulf %get3A_1015, %get3A_1015 : vector<16xf32>
        %add3A_1060 = arith.addf %add3A_1058, %mul3A_1059 : vector<16xf32>
        %mul3A_1061 = arith.mulf %get3A_1023, %get3A_1023 : vector<16xf32>
        %add3A_1062 = arith.addf %add3A_1060, %mul3A_1061 : vector<16xf32>
        %mul3A_1063 = arith.mulf %get3A_1031, %get3A_1031 : vector<16xf32>
        %add3A_1064 = arith.addf %add3A_1062, %mul3A_1063 : vector<16xf32>
        %mul3A_1065 = arith.mulf %get3A_1039, %get3A_1039 : vector<16xf32>
        %add3A_1066 = arith.addf %add3A_1064, %mul3A_1065 : vector<16xf32>
        %mul3A_1067 = arith.mulf %get3A_1047, %get3A_1047 : vector<16xf32>
        %add3A_1068 = arith.addf %add3A_1066, %mul3A_1067 : vector<16xf32>
        %mul3A_1069 = arith.mulf %get3A_1055, %get3A_1055 : vector<16xf32>
        %add3A_1070 = arith.addf %add3A_1068, %mul3A_1069 : vector<16xf32>
        %gather3A_1071 = vector.shape_cast %reshape3A : vector<16x1xi32> to vector<16xi32>
        %gather3A_1072 = tpu.dynamic_gather %add3A_1070[%gather3A_1071] in [0] : vector<16xf32>, vector<16xi32> -> vector<16xf32>
        %add3A_1073 = arith.addf %add3A_1070, %gather3A_1072 : vector<16xf32>
        %gather3A_1074 = vector.shape_cast %reshape3A_9 : vector<16x1xi32> to vector<16xi32>
        %gather3A_1075 = tpu.dynamic_gather %add3A_1073[%gather3A_1074] in [0] : vector<16xf32>, vector<16xi32> -> vector<16xf32>
        %add3A_1076 = arith.addf %add3A_1073, %gather3A_1075 : vector<16xf32>
        %gather3A_1077 = vector.shape_cast %reshape3A_14 : vector<16x1xi32> to vector<16xi32>
        %gather3A_1078 = tpu.dynamic_gather %add3A_1076[%gather3A_1077] in [0] : vector<16xf32>, vector<16xi32> -> vector<16xf32>
        %add3A_1079 = arith.addf %add3A_1076, %gather3A_1078 : vector<16xf32>
        %gather3A_1080 = vector.shape_cast %reshape3A_19 : vector<16x1xi32> to vector<16xi32>
        %gather3A_1081 = tpu.dynamic_gather %add3A_1079[%gather3A_1080] in [0] : vector<16xf32>, vector<16xi32> -> vector<16xf32>
        %add3A_1082 = arith.addf %add3A_1079, %gather3A_1081 : vector<16xf32>
        %gt3A_1083 = arith.cmpf ogt, %add3A_1082, %max3A_987 : vector<16xf32>
        %add3A_1084 = arith.addf %add3A_971, %get3A_999 : vector<16xf32>
        %add3A_1085 = arith.addf %add3A_972, %get3A_1007 : vector<16xf32>
        %add3A_1086 = arith.addf %add3A_973, %get3A_1015 : vector<16xf32>
        %add3A_1087 = arith.addf %add3A_974, %get3A_1023 : vector<16xf32>
        %add3A_1088 = arith.addf %add3A_975, %get3A_1031 : vector<16xf32>
        %add3A_1089 = arith.addf %add3A_976, %get3A_1039 : vector<16xf32>
        %add3A_1090 = arith.addf %add3A_977, %get3A_1047 : vector<16xf32>
        %add3A_1091 = arith.addf %add3A_978, %get3A_1055 : vector<16xf32>
        %select_n3A_1092 = arith.select %gt3A_1083, %get3A_999, %select_n3A_979 : vector<16xi1>, vector<16xf32>
        %select_n3A_1093 = arith.select %gt3A_1083, %get3A_1007, %select_n3A_980 : vector<16xi1>, vector<16xf32>
        %select_n3A_1094 = arith.select %gt3A_1083, %get3A_1015, %select_n3A_981 : vector<16xi1>, vector<16xf32>
        %select_n3A_1095 = arith.select %gt3A_1083, %get3A_1023, %select_n3A_982 : vector<16xi1>, vector<16xf32>
        %select_n3A_1096 = arith.select %gt3A_1083, %get3A_1031, %select_n3A_983 : vector<16xi1>, vector<16xf32>
        %select_n3A_1097 = arith.select %gt3A_1083, %get3A_1039, %select_n3A_984 : vector<16xi1>, vector<16xf32>
        %select_n3A_1098 = arith.select %gt3A_1083, %get3A_1047, %select_n3A_985 : vector<16xi1>, vector<16xf32>
        %select_n3A_1099 = arith.select %gt3A_1083, %get3A_1055, %select_n3A_986 : vector<16xi1>, vector<16xf32>
        %max3A_1100 = arith.maximumf %add3A_1082, %max3A_987 : vector<16xf32>
        scf.yield %add3A_1084, %add3A_1085, %add3A_1086, %add3A_1087, %add3A_1088, %add3A_1089, %add3A_1090, %add3A_1091, %select_n3A_1092, %select_n3A_1093, %select_n3A_1094, %select_n3A_1095, %select_n3A_1096, %select_n3A_1097, %select_n3A_1098, %select_n3A_1099, %max3A_1100 : vector<16xf32>, vector<16xf32>, vector<16xf32>, vector<16xf32>, vector<16xf32>, vector<16xf32>, vector<16xf32>, vector<16xf32>, vector<16xf32>, vector<16xf32>, vector<16xf32>, vector<16xf32>, vector<16xf32>, vector<16xf32>, vector<16xf32>, vector<16xf32>, vector<16xf32>
      }
      %scan3A_175 = arith.constant 13 : i32
      %rem3A_176 = arith.constant 5 : i32
      %rem3A_177 = arith.remsi %scan3A_62, %rem3A_176 : i32
      %eq3A_178 = arith.constant 4 : i32
      %eq3A_179 = arith.cmpi eq, %rem3A_177, %eq3A_178 : i32
      %convert_element_type3A_180 = arith.extui %eq3A_179 : i1 to i32
      %cond3A_181 = arith.constant 0 : i32
      %cond3A_182 = arith.cmpi ne, %convert_element_type3A_180, %cond3A_181 : i32
      scf.if %cond3A_182 {
        %jit3A_183 = arith.constant 5 : i32
        %div3A = arith.divsi %scan3A_62, %jit3A_183 : i32
        %sign3A = arith.constant 0 : i32
        %sign3A_184 = arith.cmpi sgt, %scan3A_62, %sign3A : i32
        %sign3A_185 = arith.extui %sign3A_184 : i1 to i32
        %sign3A_186 = arith.constant 0 : i32
        %sign3A_187 = arith.cmpi slt, %scan3A_62, %sign3A_186 : i32
        %sign3A_188 = arith.extui %sign3A_187 : i1 to i32
        %sign3A_189 = arith.subi %sign3A_185, %sign3A_188 : i32
        %sign3A_190 = arith.constant 0 : i32
        %sign3A_191 = arith.cmpi sgt, %jit3A_183, %sign3A_190 : i32
        %sign3A_192 = arith.extui %sign3A_191 : i1 to i32
        %sign3A_193 = arith.constant 0 : i32
        %sign3A_194 = arith.cmpi slt, %jit3A_183, %sign3A_193 : i32
        %sign3A_195 = arith.extui %sign3A_194 : i1 to i32
        %sign3A_196 = arith.subi %sign3A_192, %sign3A_195 : i32
        %ne3A = arith.cmpi ne, %sign3A_189, %sign3A_196 : i32
        %rem3A_197 = arith.remsi %scan3A_62, %jit3A_183 : i32
        %ne3A_198 = arith.constant 0 : i32
        %ne3A_199 = arith.cmpi ne, %rem3A_197, %ne3A_198 : i32
        %and3A_200 = arith.andi %ne3A, %ne3A_199 : i1
        %sub3A_201 = arith.constant 1 : i32
        %sub3A_202 = arith.subi %div3A, %sub3A_201 : i32
        %select_n3A_203 = arith.select %and3A_200, %sub3A_202, %div3A : i32
        %get3A = arith.constant 0 : index
        %get3A_204 = tpu.vector_load %arg9[%get3A] {strides = array<i32>} : memref<528xf32, #tpu.memory_space<vmem>>, vector<16xf32>,
        %get3A_205 = vector.shape_cast %get3A_204 : vector<16xf32> to vector<16xf32>
        %mul3A_206 = arith.mulf %scan3A_174#0, %get3A_205 : vector<16xf32>
        %get3A_207 = arith.constant 16 : index
        %get3A_208 = tpu.vector_load %arg9[%get3A_207] {strides = array<i32>} : memref<528xf32, #tpu.memory_space<vmem>>, vector<16xf32>,
        %get3A_209 = vector.shape_cast %get3A_208 : vector<16xf32> to vector<16xf32>
        %mul3A_210 = arith.mulf %scan3A_174#1, %get3A_209 : vector<16xf32>
        %add3A_211 = arith.addf %mul3A_206, %mul3A_210 : vector<16xf32>
        %get3A_212 = arith.constant 32 : index
        %get3A_213 = tpu.vector_load %arg9[%get3A_212] {strides = array<i32>} : memref<528xf32, #tpu.memory_space<vmem>>, vector<16xf32>,
        %get3A_214 = vector.shape_cast %get3A_213 : vector<16xf32> to vector<16xf32>
        %mul3A_215 = arith.mulf %scan3A_174#2, %get3A_214 : vector<16xf32>
        %add3A_216 = arith.addf %add3A_211, %mul3A_215 : vector<16xf32>
        %get3A_217 = arith.constant 48 : index
        %get3A_218 = tpu.vector_load %arg9[%get3A_217] {strides = array<i32>} : memref<528xf32, #tpu.memory_space<vmem>>, vector<16xf32>,
        %get3A_219 = vector.shape_cast %get3A_218 : vector<16xf32> to vector<16xf32>
        %mul3A_220 = arith.mulf %scan3A_174#3, %get3A_219 : vector<16xf32>
        %add3A_221 = arith.addf %add3A_216, %mul3A_220 : vector<16xf32>
        %get3A_222 = arith.constant 64 : index
        %get3A_223 = tpu.vector_load %arg9[%get3A_222] {strides = array<i32>} : memref<528xf32, #tpu.memory_space<vmem>>, vector<16xf32>,
        %get3A_224 = vector.shape_cast %get3A_223 : vector<16xf32> to vector<16xf32>
        %mul3A_225 = arith.mulf %scan3A_174#4, %get3A_224 : vector<16xf32>
        %add3A_226 = arith.addf %add3A_221, %mul3A_225 : vector<16xf32>
        %get3A_227 = arith.constant 80 : index
        %get3A_228 = tpu.vector_load %arg9[%get3A_227] {strides = array<i32>} : memref<528xf32, #tpu.memory_space<vmem>>, vector<16xf32>,
        %get3A_229 = vector.shape_cast %get3A_228 : vector<16xf32> to vector<16xf32>
        %mul3A_230 = arith.mulf %scan3A_174#5, %get3A_229 : vector<16xf32>
        %add3A_231 = arith.addf %add3A_226, %mul3A_230 : vector<16xf32>
        %get3A_232 = arith.constant 96 : index
        %get3A_233 = tpu.vector_load %arg9[%get3A_232] {strides = array<i32>} : memref<528xf32, #tpu.memory_space<vmem>>, vector<16xf32>,
        %get3A_234 = vector.shape_cast %get3A_233 : vector<16xf32> to vector<16xf32>
        %mul3A_235 = arith.mulf %scan3A_174#6, %get3A_234 : vector<16xf32>
        %add3A_236 = arith.addf %add3A_231, %mul3A_235 : vector<16xf32>
        %get3A_237 = arith.constant 112 : index
        %get3A_238 = tpu.vector_load %arg9[%get3A_237] {strides = array<i32>} : memref<528xf32, #tpu.memory_space<vmem>>, vector<16xf32>,
        %get3A_239 = vector.shape_cast %get3A_238 : vector<16xf32> to vector<16xf32>
        %mul3A_240 = arith.mulf %scan3A_174#7, %get3A_239 : vector<16xf32>
        %add3A_241 = arith.addf %add3A_236, %mul3A_240 : vector<16xf32>
        %get3A_242 = arith.constant 128 : index
        %get3A_243 = tpu.vector_load %arg9[%get3A_242] {strides = array<i32>} : memref<528xf32, #tpu.memory_space<vmem>>, vector<16xf32>,
        %get3A_244 = vector.shape_cast %get3A_243 : vector<16xf32> to vector<16xf32>
        %mul3A_245 = arith.mulf %scan3A_174#8, %get3A_244 : vector<16xf32>
        %add3A_246 = arith.addf %add3A_241, %mul3A_245 : vector<16xf32>
        %get3A_247 = arith.constant 144 : index
        %get3A_248 = tpu.vector_load %arg9[%get3A_247] {strides = array<i32>} : memref<528xf32, #tpu.memory_space<vmem>>, vector<16xf32>,
        %get3A_249 = vector.shape_cast %get3A_248 : vector<16xf32> to vector<16xf32>
        %mul3A_250 = arith.mulf %scan3A_174#9, %get3A_249 : vector<16xf32>
        %add3A_251 = arith.addf %add3A_246, %mul3A_250 : vector<16xf32>
        %get3A_252 = arith.constant 160 : index
        %get3A_253 = tpu.vector_load %arg9[%get3A_252] {strides = array<i32>} : memref<528xf32, #tpu.memory_space<vmem>>, vector<16xf32>,
        %get3A_254 = vector.shape_cast %get3A_253 : vector<16xf32> to vector<16xf32>
        %mul3A_255 = arith.mulf %scan3A_174#10, %get3A_254 : vector<16xf32>
        %add3A_256 = arith.addf %add3A_251, %mul3A_255 : vector<16xf32>
        %get3A_257 = arith.constant 176 : index
        %get3A_258 = tpu.vector_load %arg9[%get3A_257] {strides = array<i32>} : memref<528xf32, #tpu.memory_space<vmem>>, vector<16xf32>,
        %get3A_259 = vector.shape_cast %get3A_258 : vector<16xf32> to vector<16xf32>
        %mul3A_260 = arith.mulf %scan3A_174#11, %get3A_259 : vector<16xf32>
        %add3A_261 = arith.addf %add3A_256, %mul3A_260 : vector<16xf32>
        %get3A_262 = arith.constant 192 : index
        %get3A_263 = tpu.vector_load %arg9[%get3A_262] {strides = array<i32>} : memref<528xf32, #tpu.memory_space<vmem>>, vector<16xf32>,
        %get3A_264 = vector.shape_cast %get3A_263 : vector<16xf32> to vector<16xf32>
        %mul3A_265 = arith.mulf %scan3A_174#12, %get3A_264 : vector<16xf32>
        %add3A_266 = arith.addf %add3A_261, %mul3A_265 : vector<16xf32>
        %get3A_267 = arith.constant 208 : index
        %get3A_268 = tpu.vector_load %arg9[%get3A_267] {strides = array<i32>} : memref<528xf32, #tpu.memory_space<vmem>>, vector<16xf32>,
        %get3A_269 = vector.shape_cast %get3A_268 : vector<16xf32> to vector<16xf32>
        %mul3A_270 = arith.mulf %scan3A_174#13, %get3A_269 : vector<16xf32>
        %add3A_271 = arith.addf %add3A_266, %mul3A_270 : vector<16xf32>
        %get3A_272 = arith.constant 224 : index
        %get3A_273 = tpu.vector_load %arg9[%get3A_272] {strides = array<i32>} : memref<528xf32, #tpu.memory_space<vmem>>, vector<16xf32>,
        %get3A_274 = vector.shape_cast %get3A_273 : vector<16xf32> to vector<16xf32>
        %mul3A_275 = arith.mulf %scan3A_174#14, %get3A_274 : vector<16xf32>
        %add3A_276 = arith.addf %add3A_271, %mul3A_275 : vector<16xf32>
        %get3A_277 = arith.constant 240 : index
        %get3A_278 = tpu.vector_load %arg9[%get3A_277] {strides = array<i32>} : memref<528xf32, #tpu.memory_space<vmem>>, vector<16xf32>,
        %get3A_279 = vector.shape_cast %get3A_278 : vector<16xf32> to vector<16xf32>
        %mul3A_280 = arith.mulf %scan3A_174#15, %get3A_279 : vector<16xf32>
        %add3A_281 = arith.addf %add3A_276, %mul3A_280 : vector<16xf32>
        %gather3A = vector.shape_cast %reshape3A : vector<16x1xi32> to vector<16xi32>
        %gather3A_282 = tpu.dynamic_gather %add3A_281[%gather3A] in [0] : vector<16xf32>, vector<16xi32> -> vector<16xf32>
        %add3A_283 = arith.addf %add3A_281, %gather3A_282 : vector<16xf32>
        %gather3A_284 = vector.shape_cast %reshape3A_9 : vector<16x1xi32> to vector<16xi32>
        %gather3A_285 = tpu.dynamic_gather %add3A_283[%gather3A_284] in [0] : vector<16xf32>, vector<16xi32> -> vector<16xf32>
        %add3A_286 = arith.addf %add3A_283, %gather3A_285 : vector<16xf32>
        %gather3A_287 = vector.shape_cast %reshape3A_14 : vector<16x1xi32> to vector<16xi32>
        %gather3A_288 = tpu.dynamic_gather %add3A_286[%gather3A_287] in [0] : vector<16xf32>, vector<16xi32> -> vector<16xf32>
        %add3A_289 = arith.addf %add3A_286, %gather3A_288 : vector<16xf32>
        %gather3A_290 = vector.shape_cast %reshape3A_19 : vector<16x1xi32> to vector<16xi32>
        %gather3A_291 = tpu.dynamic_gather %add3A_289[%gather3A_290] in [0] : vector<16xf32>, vector<16xi32> -> vector<16xf32>
        %add3A_292 = arith.addf %add3A_289, %gather3A_291 : vector<16xf32>
        %get3A_293 = arith.constant 256 : index
        %get3A_294 = tpu.vector_load %arg9[%get3A_293] {strides = array<i32>} : memref<528xf32, #tpu.memory_space<vmem>>, vector<16xf32>,
        %get3A_295 = vector.shape_cast %get3A_294 : vector<16xf32> to vector<16xf32>
        %mul3A_296 = arith.mulf %scan3A_174#0, %get3A_295 : vector<16xf32>
        %get3A_297 = arith.constant 272 : index
        %get3A_298 = tpu.vector_load %arg9[%get3A_297] {strides = array<i32>} : memref<528xf32, #tpu.memory_space<vmem>>, vector<16xf32>,
        %get3A_299 = vector.shape_cast %get3A_298 : vector<16xf32> to vector<16xf32>
        %mul3A_300 = arith.mulf %scan3A_174#1, %get3A_299 : vector<16xf32>
        %add3A_301 = arith.addf %mul3A_296, %mul3A_300 : vector<16xf32>
        %get3A_302 = arith.constant 288 : index
        %get3A_303 = tpu.vector_load %arg9[%get3A_302] {strides = array<i32>} : memref<528xf32, #tpu.memory_space<vmem>>, vector<16xf32>,
        %get3A_304 = vector.shape_cast %get3A_303 : vector<16xf32> to vector<16xf32>
        %mul3A_305 = arith.mulf %scan3A_174#2, %get3A_304 : vector<16xf32>
        %add3A_306 = arith.addf %add3A_301, %mul3A_305 : vector<16xf32>
        %get3A_307 = arith.constant 304 : index
        %get3A_308 = tpu.vector_load %arg9[%get3A_307] {strides = array<i32>} : memref<528xf32, #tpu.memory_space<vmem>>, vector<16xf32>,
        %get3A_309 = vector.shape_cast %get3A_308 : vector<16xf32> to vector<16xf32>
        %mul3A_310 = arith.mulf %scan3A_174#3, %get3A_309 : vector<16xf32>
        %add3A_311 = arith.addf %add3A_306, %mul3A_310 : vector<16xf32>
        %get3A_312 = arith.constant 320 : index
        %get3A_313 = tpu.vector_load %arg9[%get3A_312] {strides = array<i32>} : memref<528xf32, #tpu.memory_space<vmem>>, vector<16xf32>,
        %get3A_314 = vector.shape_cast %get3A_313 : vector<16xf32> to vector<16xf32>
        %mul3A_315 = arith.mulf %scan3A_174#4, %get3A_314 : vector<16xf32>
        %add3A_316 = arith.addf %add3A_311, %mul3A_315 : vector<16xf32>
        %get3A_317 = arith.constant 336 : index
        %get3A_318 = tpu.vector_load %arg9[%get3A_317] {strides = array<i32>} : memref<528xf32, #tpu.memory_space<vmem>>, vector<16xf32>,
        %get3A_319 = vector.shape_cast %get3A_318 : vector<16xf32> to vector<16xf32>
        %mul3A_320 = arith.mulf %scan3A_174#5, %get3A_319 : vector<16xf32>
        %add3A_321 = arith.addf %add3A_316, %mul3A_320 : vector<16xf32>
        %get3A_322 = arith.constant 352 : index
        %get3A_323 = tpu.vector_load %arg9[%get3A_322] {strides = array<i32>} : memref<528xf32, #tpu.memory_space<vmem>>, vector<16xf32>,
        %get3A_324 = vector.shape_cast %get3A_323 : vector<16xf32> to vector<16xf32>
        %mul3A_325 = arith.mulf %scan3A_174#6, %get3A_324 : vector<16xf32>
        %add3A_326 = arith.addf %add3A_321, %mul3A_325 : vector<16xf32>
        %get3A_327 = arith.constant 368 : index
        %get3A_328 = tpu.vector_load %arg9[%get3A_327] {strides = array<i32>} : memref<528xf32, #tpu.memory_space<vmem>>, vector<16xf32>,
        %get3A_329 = vector.shape_cast %get3A_328 : vector<16xf32> to vector<16xf32>
        %mul3A_330 = arith.mulf %scan3A_174#7, %get3A_329 : vector<16xf32>
        %add3A_331 = arith.addf %add3A_326, %mul3A_330 : vector<16xf32>
        %get3A_332 = arith.constant 384 : index
        %get3A_333 = tpu.vector_load %arg9[%get3A_332] {strides = array<i32>} : memref<528xf32, #tpu.memory_space<vmem>>, vector<16xf32>,
        %get3A_334 = vector.shape_cast %get3A_333 : vector<16xf32> to vector<16xf32>
        %mul3A_335 = arith.mulf %scan3A_174#8, %get3A_334 : vector<16xf32>
        %add3A_336 = arith.addf %add3A_331, %mul3A_335 : vector<16xf32>
        %get3A_337 = arith.constant 400 : index
        %get3A_338 = tpu.vector_load %arg9[%get3A_337] {strides = array<i32>} : memref<528xf32, #tpu.memory_space<vmem>>, vector<16xf32>,
        %get3A_339 = vector.shape_cast %get3A_338 : vector<16xf32> to vector<16xf32>
        %mul3A_340 = arith.mulf %scan3A_174#9, %get3A_339 : vector<16xf32>
        %add3A_341 = arith.addf %add3A_336, %mul3A_340 : vector<16xf32>
        %get3A_342 = arith.constant 416 : index
        %get3A_343 = tpu.vector_load %arg9[%get3A_342] {strides = array<i32>} : memref<528xf32, #tpu.memory_space<vmem>>, vector<16xf32>,
        %get3A_344 = vector.shape_cast %get3A_343 : vector<16xf32> to vector<16xf32>
        %mul3A_345 = arith.mulf %scan3A_174#10, %get3A_344 : vector<16xf32>
        %add3A_346 = arith.addf %add3A_341, %mul3A_345 : vector<16xf32>
        %get3A_347 = arith.constant 432 : index
        %get3A_348 = tpu.vector_load %arg9[%get3A_347] {strides = array<i32>} : memref<528xf32, #tpu.memory_space<vmem>>, vector<16xf32>,
        %get3A_349 = vector.shape_cast %get3A_348 : vector<16xf32> to vector<16xf32>
        %mul3A_350 = arith.mulf %scan3A_174#11, %get3A_349 : vector<16xf32>
        %add3A_351 = arith.addf %add3A_346, %mul3A_350 : vector<16xf32>
        %get3A_352 = arith.constant 448 : index
        %get3A_353 = tpu.vector_load %arg9[%get3A_352] {strides = array<i32>} : memref<528xf32, #tpu.memory_space<vmem>>, vector<16xf32>,
        %get3A_354 = vector.shape_cast %get3A_353 : vector<16xf32> to vector<16xf32>
        %mul3A_355 = arith.mulf %scan3A_174#12, %get3A_354 : vector<16xf32>
        %add3A_356 = arith.addf %add3A_351, %mul3A_355 : vector<16xf32>
        %get3A_357 = arith.constant 464 : index
        %get3A_358 = tpu.vector_load %arg9[%get3A_357] {strides = array<i32>} : memref<528xf32, #tpu.memory_space<vmem>>, vector<16xf32>,
        %get3A_359 = vector.shape_cast %get3A_358 : vector<16xf32> to vector<16xf32>
        %mul3A_360 = arith.mulf %scan3A_174#13, %get3A_359 : vector<16xf32>
        %add3A_361 = arith.addf %add3A_356, %mul3A_360 : vector<16xf32>
        %get3A_362 = arith.constant 480 : index
        %get3A_363 = tpu.vector_load %arg9[%get3A_362] {strides = array<i32>} : memref<528xf32, #tpu.memory_space<vmem>>, vector<16xf32>,
        %get3A_364 = vector.shape_cast %get3A_363 : vector<16xf32> to vector<16xf32>
        %mul3A_365 = arith.mulf %scan3A_174#14, %get3A_364 : vector<16xf32>
        %add3A_366 = arith.addf %add3A_361, %mul3A_365 : vector<16xf32>
        %get3A_367 = arith.constant 496 : index
        %get3A_368 = tpu.vector_load %arg9[%get3A_367] {strides = array<i32>} : memref<528xf32, #tpu.memory_space<vmem>>, vector<16xf32>,
        %get3A_369 = vector.shape_cast %get3A_368 : vector<16xf32> to vector<16xf32>
        %mul3A_370 = arith.mulf %scan3A_174#15, %get3A_369 : vector<16xf32>
        %add3A_371 = arith.addf %add3A_366, %mul3A_370 : vector<16xf32>
        %gather3A_372 = vector.shape_cast %reshape3A : vector<16x1xi32> to vector<16xi32>
        %gather3A_373 = tpu.dynamic_gather %add3A_371[%gather3A_372] in [0] : vector<16xf32>, vector<16xi32> -> vector<16xf32>
        %add3A_374 = arith.addf %add3A_371, %gather3A_373 : vector<16xf32>
        %gather3A_375 = vector.shape_cast %reshape3A_9 : vector<16x1xi32> to vector<16xi32>
        %gather3A_376 = tpu.dynamic_gather %add3A_374[%gather3A_375] in [0] : vector<16xf32>, vector<16xi32> -> vector<16xf32>
        %add3A_377 = arith.addf %add3A_374, %gather3A_376 : vector<16xf32>
        %gather3A_378 = vector.shape_cast %reshape3A_14 : vector<16x1xi32> to vector<16xi32>
        %gather3A_379 = tpu.dynamic_gather %add3A_377[%gather3A_378] in [0] : vector<16xf32>, vector<16xi32> -> vector<16xf32>
        %add3A_380 = arith.addf %add3A_377, %gather3A_379 : vector<16xf32>
        %gather3A_381 = vector.shape_cast %reshape3A_19 : vector<16x1xi32> to vector<16xi32>
        %gather3A_382 = tpu.dynamic_gather %add3A_380[%gather3A_381] in [0] : vector<16xf32>, vector<16xi32> -> vector<16xf32>
        %add3A_383 = arith.addf %add3A_380, %gather3A_382 : vector<16xf32>
        %get3A_384 = arith.constant 512 : index
        %get3A_385 = tpu.vector_load %arg9[%get3A_384] {strides = array<i32>} : memref<528xf32, #tpu.memory_space<vmem>>, vector<16xf32>,
        %get3A_386 = vector.shape_cast %get3A_385 : vector<16xf32> to vector<16xf32>
        %eq3A_387 = arith.constant 0 : i32
        %eq3A_388 = vector.broadcast %eq3A_387 : i32 to vector<16xi32>
        %eq3A_389 = arith.cmpi eq, %iota3A_51, %eq3A_388 : vector<16xi32>
        %eq3A_390 = arith.constant 1 : i32
        %eq3A_391 = vector.broadcast %eq3A_390 : i32 to vector<16xi32>
        %eq3A_392 = arith.cmpi eq, %iota3A_51, %eq3A_391 : vector<16xi32>
        %broadcast_in_dim3A_393 = arith.constant 0.000000e+00 : f32
        %broadcast_in_dim3A_394 = vector.broadcast %broadcast_in_dim3A_393 : f32 to vector<16xf32>
        %select_n3A_395 = arith.select %eq3A_392, %add3A_383, %broadcast_in_dim3A_394 : vector<16xi1>, vector<16xf32>
        %select_n3A_396 = arith.select %eq3A_389, %add3A_292, %select_n3A_395 : vector<16xi1>, vector<16xf32>
        %add3A_397 = arith.addf %select_n3A_396, %get3A_386 : vector<16xf32>
        %mul3A_398 = arith.constant 16 : i32
        %mul3A_399 = arith.muli %select_n3A_203, %mul3A_398 : i32
        %swap3A = arith.index_cast %mul3A_399 : i32 to index
        %swap3A_400 = tpu.vector_load %arg8[%swap3A] {strides = array<i32>} : memref<512xf32, #tpu.memory_space<vmem>>, vector<16xf32>,
        %swap3A_401 = vector.shape_cast %swap3A_400 : vector<16xf32> to vector<16xf32>
        %swap3A_402 = vector.shape_cast %add3A_397 : vector<16xf32> to vector<16xf32>
        tpu.vector_store %arg8[%swap3A], %swap3A_402 {strides = array<i32>} : memref<512xf32, #tpu.memory_space<vmem>>, vector<16xf32>,
      } else {
      }
      scf.yield %scan3A_174#0, %scan3A_174#1, %scan3A_174#2, %scan3A_174#3, %scan3A_174#4, %scan3A_174#5, %scan3A_174#6, %scan3A_174#7, %scan3A_174#8, %scan3A_174#9, %scan3A_174#10, %scan3A_174#11, %scan3A_174#12, %scan3A_174#13, %scan3A_174#14, %scan3A_174#15, %scan3A_174#16 : vector<16xf32>, vector<16xf32>, vector<16xf32>, vector<16xf32>, vector<16xf32>, vector<16xf32>, vector<16xf32>, vector<16xf32>, vector<16xf32>, vector<16xf32>, vector<16xf32>, vector<16xf32>, vector<16xf32>, vector<16xf32>, vector<16xf32>, vector<16xf32>, vector<16xf32>
    }
    %scan3A_59 = arith.constant 160 : i32
    %mul3A_60 = arith.constant 16 : i32
    %mul3A_61 = arith.muli %mul3A_2, %mul3A_60 : i32
    "tpu.region"() ({
      %run_scoped3A = tpu.sem_alloc : memref<!tpu.dma_semaphore, #tpu.memory_space<semaphore_mem>>
      %dma_start3A_62 = tpu.memref_slice %arg5[%mul3A_61] : memref<16384xf32, #tpu.memory_space<hbm>> -> memref<512xf32, #tpu.memory_space<hbm>>
      %dma_start3A_63 = tpu.memref_slice %arg5[%mul3A_61] : memref<16384xf32, #tpu.memory_space<hbm>> -> memref<512xf32, #tpu.memory_space<hbm>>
      tpu.enqueue_dma source(%arg8 : memref<512xf32, #tpu.memory_space<vmem>>) target(%dma_start3A_63 : memref<512xf32, #tpu.memory_space<hbm>>) target_semaphore(%run_scoped3A : memref<!tpu.dma_semaphore, #tpu.memory_space<semaphore_mem>>)
      %dma_wait3A = tpu.memref_slice %arg5[%mul3A_61] : memref<16384xf32, #tpu.memory_space<hbm>> -> memref<512xf32, #tpu.memory_space<hbm>>
      %dma_wait3A_64 = tpu.memref_slice %arg5[%mul3A_61] : memref<16384xf32, #tpu.memory_space<hbm>> -> memref<512xf32, #tpu.memory_space<hbm>>
      tpu.wait_dma2 semaphore(%run_scoped3A : memref<!tpu.dma_semaphore, #tpu.memory_space<semaphore_mem>>) src(%arg8 : memref<512xf32, #tpu.memory_space<vmem>>) dst(%dma_wait3A_64 : memref<512xf32, #tpu.memory_space<hbm>>)
      tpu.yield
    }) : () -> ()
    return
  }
}

</mosaic_0001>

<sc_bundles>
// kernel: kernel.3.cloned.1.call-start
scs
__scs_entry_jumppad:
0x0: {  	(pc) =	sbr.rel $0x88, $3  }
0x1: {  	(tag) =	ssettag $0x0;
	lr =	simm.s32 $0x1  }
0x2: {  	[smem:$0x3F9D] =	sst lr;
	_ =	strace $0xD0000000  }
0x3: {  	_ = 	snop  }
0x4: {  	_ = 	snop  }
0x5: {  	_ = 	snop  }
0x6: {  	_ = 	snop  }
0x7: {  	_ = 	snop  }
__scs_overlays_trampoline_lowered:
0x8: {  	[smem:$0x3FAC] =	sst s0  }
0x9: {  	[smem:$0x3FAD] =	sst s1  }
0xa: {  	[smem:$0x3FAE] =	sst s2  }
0xb: {  	[smem:$0x3FAF] =	sst s3  }
0xc: {  	[smem:$0x3FB0] =	sst s4  }
0xd: {  	[smem:$0x3FB1] =	sst s5  }
0xe: {  	[smem:$0x3FB2] =	sst s6  }
0xf: {  	[smem:$0x3FB3] =	sst s7  }
0x10: {  	[smem:$0x3FB4] =	sst s8  }
0x11: {  	[smem:$0x3FB5] =	sst s9;
	s0 =	simm.s32 @!p0 $0x0  }
0x12: {  	s1 =	sld [smem:$0x3F9B];
	s0 =	simm.s32 @p0 $0x1  }
0x13: {  	[smem:$0x3FB6] =	sst s0;
	s0 =	simm.s32 @!p1 $0x0  }
0x14: {  	s2 =	sld [smem:$0x3F9A];
	s0 =	simm.s32 @p1 $0x1  }
0x15: {  	[smem:$0x3FB7] =	sst s0;
	s0 =	simm.s32 @!p2 $0x0  }
0x16: {  	s3 =	sld [smem:$0x3FDB];
	s0 =	simm.s32 @p2 $0x1  }
0x17: {  	s4 =	simm.s32 $0x1BF5;
	[smem:$0x3FB9] =	sst s0  }
0x18: {  	s0 =	sld [smem:$0x3F9C];
	_ =	swait.ge [sflag:s4], $0x0  }
0x19: {  	s7 =	sld [smem:$0x3F9D]  }
0x1a: {  	s8 =	sadd.s32 $0xFFFFE003, lr  }
0x1b: {  	s9 =	sadd.s32 $0xFFFFFEF7, lr;
	s5 =	simm.s32 $0xFFFFFFFF;
	p2 =	slt.u32 s8, $0xFFFFF086  }
0x1c: {  	p1 =	slt.u32 s9, $0xF7A;
	s5 =	simm.s32 @!p2 $0x0  }
0x1d: {  	s5 =	simm.s32 @p1 $0x1;
	p0 =	seq.s32 s7, s2  }
0x1e: {  	s7 =	smul.u32 @!p0 $0xF7A, s2;
	p2 =	seq.s32 @!p0 s5, $0x0  }
0x1f: {  	s9 =	smul.u32 $0xF7A, s1;
	s8 =	simm.s32 @!p0 $0x1BF5;
	p2 =	por !p2, p0  }
0x20: {  	[sflag:s8] =	ssyncset.s32 @!p0 $0xFFFFF086;
	s6 =	sadd.s32 @!p0 s3, s7;
	s7 =	simm.s32 @!p0 $0x108  }
0x21: {  	s3 =	sadd.s32 s3, s9;
	s6 =	sadd.s32 @!p0 $0x88, s6;
	s7 =	simm.s32 @p2 $0x1082  }
0x22: {  	[simem:s7], [sflag:s8] =	dma.local @!p0 [hbm:s6], $0xF7A  }
0x23: {  	s9 =	sor.u32 $0xD0000000, s2;
	s6 =	simm.s32 $0x108;
	_ =	swait.ge @!p0 [sflag:s8], $0x0  }
0x24: {  	s3 =	sadd.s32 $0x88, s3;
	s6 =	simm.s32 @!p1 $0x1082;
	[sflag:s4] =	ssyncset.s32 $0xFFFFF086  }
0x25: {  	[simem:s6], [sflag:s4] =	dma.local [hbm:s3], $0xF7A  }
0x26: {  	[smem:$0x3F9D] =	sst s1;
	(tag) =	ssettag s2;
	_ =	strace s9  }
0x27: {  	s1 =	sld [smem:$0x3FAD]  }
0x28: {  	s2 =	sld [smem:$0x3FAE]  }
0x29: {  	s4 =	sld [smem:$0x3FB0]  }
0x2a: {  	p0 =	seq.s32 s5, $0x0;
	s5 =	sld [smem:$0x3FB1]  }
0x2b: {  	s6 =	sld [smem:$0x3FB2]  }
0x2c: {  	s7 =	sld [smem:$0x3FB3]  }
0x2d: {  	s3 =	simm.s32 $0x108;
	s8 =	sld [smem:$0x3FB4]  }
0x2e: {  	s3 =	simm.s32 @!p0 $0x1082;
	s9 =	sld [smem:$0x3FB5]  }
0x2f: {  	lr =	sadd.s32 s0, s3;
	s0 =	sld [smem:$0x3FAC]  }
0x30: {  	s3 =	sld [smem:$0x3FAF]  }
0x31: {  	[smem:$0x3FB8] =	sst s10  }
0x32: {  	s10 =	sld [smem:$0x3FB6];
	_ =	sdelay $0x3  }
0x33: {  	p0 =	seq.s32 s10, $0x1;
	s10 =	sld [smem:$0x3FB8];
	_ =	sdelay $0x3  }
0x34: {  	[smem:$0x3FB8] =	sst s10  }
0x35: {  	s10 =	sld [smem:$0x3FB7];
	_ =	sdelay $0x3  }
0x36: {  	p1 =	seq.s32 s10, $0x1;
	s10 =	sld [smem:$0x3FB8];
	_ =	sdelay $0x3  }
0x37: {  	[smem:$0x3FB8] =	sst s10  }
0x38: {  	s10 =	sld [smem:$0x3FB9]  }
0x39: {  	_ = 	snop;
	(pc) =	sbr.ind lr, $3  }
0x3a: {  	_ = 	snop  }
0x3b: {  	_ = 	snop  }
0x3c: {  	p2 =	seq.s32 s10, $0x1;
	s10 =	sld [smem:$0x3FB8]  }
0x3d: {  	_ =	shalt  }
0x3e: {  	_ =	shalt  }
0x3f: {  	_ =	shalt  }
0x40: {  	_ =	shalt  }
0x41: {  	_ =	shalt  }
0x42: {  	_ =	shalt  }
0x43: {  	_ =	shalt  }
0x44: {  	_ =	shalt  }
0x45: {  	_ =	shalt  }
0x46: {  	_ =	shalt  }
0x47: {  	_ =	shalt  }
0x48: {  	_ =	shalt  }
0x49: {  	_ =	shalt  }
0x4a: {  	_ =	shalt  }
0x4b: {  	_ =	shalt  }
0x4c: {  	_ =	shalt  }
0x4d: {  	_ =	shalt  }
0x4e: {  	_ =	shalt  }
0x4f: {  	_ =	shalt  }
0x50: {  	_ =	shalt  }
0x51: {  	_ =	shalt  }
0x52: {  	_ =	shalt  }
0x53: {  	_ =	shalt  }
0x54: {  	_ =	shalt  }
0x55: {  	_ =	shalt  }
0x56: {  	_ =	shalt  }
0x57: {  	_ =	shalt  }
0x58: {  	_ =	shalt  }
0x59: {  	_ =	shalt  }
0x5a: {  	_ =	shalt  }
0x5b: {  	_ =	shalt  }
0x5c: {  	_ =	shalt  }
0x5d: {  	_ =	shalt  }
0x5e: {  	_ =	shalt  }
0x5f: {  	_ =	shalt  }
0x60: {  	_ =	shalt  }
0x61: {  	_ =	shalt  }
0x62: {  	_ =	shalt  }
0x63: {  	_ =	shalt  }
0x64: {  	_ =	shalt  }
0x65: {  	_ =	shalt  }
0x66: {  	_ =	shalt  }
0x67: {  	_ =	shalt  }
0x68: {  	_ =	shalt  }
0x69: {  	_ =	shalt  }
0x6a: {  	_ =	shalt  }
0x6b: {  	_ =	shalt  }
0x6c: {  	_ =	shalt  }
0x6d: {  	_ =	shalt  }
0x6e: {  	_ =	shalt  }
0x6f: {  	_ =	shalt  }
0x70: {  	_ =	shalt  }
0x71: {  	_ =	shalt  }
0x72: {  	_ =	shalt  }
0x73: {  	_ =	shalt  }
0x74: {  	_ =	shalt  }
0x75: {  	_ =	shalt  }
0x76: {  	_ =	shalt  }
0x77: {  	_ =	shalt  }
0x78: {  	_ =	shalt  }
0x79: {  	_ =	shalt  }
0x7a: {  	_ =	shalt  }
0x7b: {  	_ =	shalt  }
0x7c: {  	_ =	shalt  }
0x7d: {  	_ =	shalt  }
0x7e: {  	_ =	shalt  }
0x7f: {  	_ =	shalt  }
0x80: {  	_ =	shalt  }
0x81: {  	_ =	shalt  }
0x82: {  	_ =	shalt  }
0x83: {  	_ =	shalt  }
0x84: {  	_ =	shalt  }
0x85: {  	_ =	shalt  }
0x86: {  	_ =	shalt  }
0x87: {  	_ =	shalt  }
.Lfunc_end0:
.L_simem_size_0:
called_computation_lowered:
.L_overlay_start_0:
0x88: {  	s2 =	sld [smem:$0x3FD9]  }
0x89: {  	s3 =	sld [smem:$0x3FFE];
	_ =	sdelay $0x1  }
0x8a: {  	s1 =	srdreg.scid  }
0x8b: {  	s0 =	sand.u32 $0x1, s1  }
0x8c: {  	s17 =	sshll.u32 s0, $0xA;
	s2 =	sadd.s32 s3, s2  }
0x8d: {  	s2 =	sadd.s32 s2, s17  }
0x8e: {  	[smem:$0x3FC4] =	sst s2  }
0x8f: {  	_ = 	snop  }
0x90: {  	s2 =	sld [smem:$0x3FC8]  }
0x91: {  	s18 =	sld [smem:$0x3FD0];
	(tm) =	ssettm $0x1  }
0x92: {  	s4 =	sld [smem:$0x3FFB];
	_ =	sdelay $0x3  }
0x93: {  	_ =	strace s4  }
0x94: {  	s4 =	sld [smem:$0x3FFC];
	_ =	sdelay $0x3  }
0x95: {  	_ =	strace s4  }
0x96: {  	s4 =	sld [smem:$0x3FFD];
	_ =	sdelay $0x3  }
0x97: {  	_ =	strace s4  }
0x98: {  	_ =	strace $0x8FFFFFFF  }
0x99: {  	s19 =	sld [smem:$0x3FDB];
	_ =	sdelay $0x1  }
0x9a: {  	s5 =	simm.s32 $_scs_section_size  }
0x9b: {  	s6 =	simm.s32 $_size__tile_overlayer_lowered;
	s7 =	simm.s32 $_tile_overlayer_lowered  }
0x9c: {  	s22 =	simm.s32 $0x1BFF;
	s21 =	sshll.u32 s7, $0x1;
	s4 =	sadd.s32 s5, s19  }
0x9d: {  	s8 =	simm.s32 $0x0;
	s20 =	sshll.u32 s6, $0x1;
	s6 =	sadd.s32 s21, s4  }
0x9e: {  	[timem:s8], [sflag:s22] =	dma.local [hbm:s6], s20  }
0x9f: {  	_ =	swait.ge [sflag:s22], s20  }
0xa0: {  	s5 =	ssub.s32 $0x0, s20;
	[sflag:s22] =	ssyncset.done $0x0  }
0xa1: {  	[sflag:s22] =	ssyncadd.s32 s5;
	_ =	sdelay $0x1  }
0xa2: {  	s23 =	simm.s32 $0x1B8B  }
0xa3: {  	_ =	swait.ge [sflag:s23], $0x1  }
0xa4: {  	[sflag:s23] =	ssyncset.done $0x0  }
0xa5: {  	s25 =	simm.s32 $0x1B8E;
	s24 =	sld [smem:$0x3FFE];
	[sflag:s23] =	ssyncadd.s32 $0xFFFFFFFF  }
0xa6: {  	s26 =	simm.s32 $execute0_lowered;
	[smem:$0x3FD2] =	sst s25  }
0xa7: {  	s6 =	sshll.u32 s26, $0x1;
	_ =	strace $0x80000046;
	[dreg:$0x1] =	wrdreg $0xFFFFFFFF  }
0xa8: {  	s28 =	simm.s32 $_size_execute0_lowered;
	s4 =	sadd.s32 s4, s6;
	[dreg:$0x0] =	wrdreg $0x0  }
0xa9: {  	s6 =	sshll.u32 s28, $0x1;
	[dreg:$0x2] =	wrdreg s4  }
0xaa: {  	[dreg:$0x3] =	wrdreg s6  }
0xab: {  	[dreg:$0x4] =	wrdreg $0xC0  }
0xac: {  	_ =	task [dreg:s8], $0x5FFFF  }
0xad: {  	[dreg:$0x1] =	wrdreg $0xFFFFFFFF  }
0xae: {  	[dreg:$0x0] =	wrdreg $0x60  }
0xaf: {  	[dreg:$0x2] =	wrdreg s24  }
0xb0: {  	[dreg:$0x3] =	wrdreg s2  }
0xb1: {  	[dreg:$0x4] =	wrdreg s18  }
0xb2: {  	[dreg:$0x5] =	wrdreg $0x9  }
0xb3: {  	_ =	task.clear_ibuf [dreg:s8], $0x6FFFF;
	_ =	strace $0x90000046  }
0xb4: {  	s29 =	simm.s32 $0x9;
	_ =	strace $0x80000048  }
0xb5: {  	_ =	swait.ge [sflag:s29], $0x1  }
0xb6: {  	[sflag:s29] =	ssyncadd.s32 $0xFFFFFFFF  }
0xb7: {  	_ =	strace $0x90000048  }
0xb8: {  	_ =	sfence  }
0xb9: {  	s30 =	sld [smem:$0x0];
	_ =	sdelay $0x2  }
0xba: {  	s31 =	sshll.u32 s1, $0xD;
	s1 =	sshrl.u32 s1, $0x2  }
0xbb: {  	s3 =	sand.u32 $0x4000, s31;
	s1 =	sadd.s32 s1, s30  }
0xbc: {  	s0 =	sor.u32 s3, s0;
	s1 =	sshll.u32 s1, $0x11  }
0xbd: {  	s0 =	sor.u32 s1, s0  }
0xbe: {  	s0 =	sadd.s32 $0x8F2B, s0  }
0xbf: {  	[sflag:s0] =	ssyncadd.remote.s32 $0x1  }
0xc0: {  	_ =	sfence.sel $0xFFFF  }
0xc1: {  	[dreg:$0x0] =	wrdreg $0xFFFFFFFF;
	(pc) =	sbr.abs _section_cstart, $3  }
0xc2: {  	[dreg:$0x1] =	wrdreg $0xFFFFFFFF  }
0xc3: {  	_ =	task.clear_ibuf [dreg:s8], $0x2FFFF;
	_ =	strace $0x9FFFFFFF  }
0xc4: {  	(tm) =	ssettm $0x7FFFFFFF  }
0xc5: {  	_ =	shalt  }
tec
execute0_lowered:
.L_overlay_start_1:
0x0: {  	(tag) =	ssettag $0x1  }
0x1: {  	s5 =	rddreg [dreg:$0x0];
	v0 =	vimm.s32 $0xEFCDAB89  }
0x2: {  	s0 =	rddreg [dreg:$0x1];
	v1 =	vimm.s32 $0x67452301;
	v2 =	vimm.s32 $0xDCFE98BA;
	s2 =	srdreg.scid;
	v3 =	vimm.s32 $0x54761032  }
0x3: {  	s1 =	stileid.u32;
	s3 =	rddreg [dreg:$0x2];
	s4 =	simm.s32 $0x0;
	v4 =	vimm.s32 $0xBA98FEDC;
	v5 =	vimm.s32 $0x32107654;
	v6 =	vimm.s32 $0xFEDCBA98  }
0x4: {  	v7 =	vimm.s32 $0x76543210;
	s10 =	simm.s32 $0x68;
	s11 =	simm.s32 $0x4100;
	s12 =	simm.s32 $0x7500;
	v0 =	vunpack.c.l.s4.s8 v0;
	v1 =	vunpack.c.l.s4.s8 v1  }
0x5: {  	s13 =	simm.s32 $0xD0;
	s14 =	simm.s32 $0xA900;
	s15 =	simm.s32 $0x1;
	v2 =	vunpack.c.l.s4.s8 v2;
	v3 =	vunpack.c.l.s4.s8 v3;
	v4 =	vunpack.c.l.s4.s8 v4  }
0x6: {  	s16 =	simm.s32 $0x11100;
	s6 =	sand.u32 $0x1, s2;
	s2 =	rddreg [dreg:$0x3];
	v5 =	vunpack.c.l.s4.s8 v5;
	v6 =	vunpack.c.l.s4.s8 v6;
	v0 =	vunpack.c.0.s8.s32 v0  }
0x7: {  	s17 =	simm.s32 $0x0;
	s7 =	sshll.u32 s1, $0x1;
	[smem:$0x7FF] =	sst s4;
	v1 =	vunpack.c.0.s8.s32 v1;
	v2 =	vunpack.c.0.s8.s32 v2;
	v3 =	vunpack.c.0.s8.s32 v3  }
.Ltmp0:
0x8: {  	v7 =	vunpack.c.l.s4.s8 v7;
	s7 =	sor.u32 s6, s7;
	s6 =	ssub.s32 $0x2, s6;
	v4 =	vunpack.c.0.s8.s32 v4;
	v5 =	vunpack.c.0.s8.s32 v5;
	(pc) =	sbr.rel .LBB2_1-.Ltmp0, $4  }
0x9: {  	s8 =	smul.u32 $0x820, s7;
	s7 =	sshll.u32 s7, $0x6;
	s9 =	sshrl.u32 s6, $0x1;
	v0 =	vcombine.low v1, v0;
	v1 =	vcombine.low v3, v2;
	v2 =	vunpack.c.0.s8.s32 v6  }
0xa: {  	_ =	strace $0x80000047;
	s7 =	sadd.s32 s7, s5;
	s9 =	ssub.s32 s6, s9;
	v3 =	vcombine.low v5, v4;
	v4 =	vunpack.c.0.s8.s32 v7  }
0xb: {  	vm0 =	vcmask $0x3F08;
	s8 =	sadd.s32 s8, s5;
	s6 =	sadd.s32 $0x10E00, s7;
	s7 =	smax.u32 s9, $0x1;
	v0 =	vand.u32 $0xF, v0;
	v5 =	vand.u32 $0xF, v2  }
0xc: {  	s9 =	simm.s32 $0x11300;
	s5 =	sadd.s32 $0xA00, s8;
	s8 =	simm.s32 $0x5;
	v1 =	vand.u32 $0xF, v1;
	v2 =	vand.u32 $0xF, v3;
	v3 =	vcombine.low v5, v4  }
.LBB2_10:
0xd: {  	s17 =	sadd.s32 $0x1, s17  }
0xe: {  	p0 =	sne.s32 s17, s7  }
.Ltmp1:
0xf: {  	_ = 	snop;
	(pc) =	sbr.rel @!p0 .LBB2_11-.Ltmp1, $4  }
0x10: {  	[hbm4b:s6+s4] =	stream.linear.scatter [tilespmem:s16], [sflag:$0x5], $0x200, $0x38;
	[tilespmem:$0x11580] =	vst v63  }
0x11: {  	_ =	swait.ge [sflag:s8], $0x200  }
0x12: {  	[sflag:s8] =	ssyncset.done $0x0  }
0x13: {  	[sflag:s8] =	ssyncadd.s32 $0xFFFFFE00  }
.LBB2_1:
0x14: {  	[tilespmem:s4], [sflag:$0x5] =	stream.linear.gather [hbm4b:s5+s4], $0x4100, $0x38;
	[tilespmem:$0x11580] =	vst v63  }
0x15: {  	_ =	swait.ge [sflag:s8], $0x4100  }
0x16: {  	[sflag:s8] =	ssyncset.done $0x0  }
0x17: {  	[sflag:s8] =	ssyncadd.s32 $0xFFFFBF00  }
0x18: {  	[tilespmem:s9], [sflag:$0x5] =	stream.linear.gather [hbm4b:s3+s4], $0x280, $0x38;
	[tilespmem:$0x11580] =	vst v63  }
0x19: {  	_ =	swait.ge [sflag:s8], $0x280  }
0x1a: {  	[sflag:s8] =	ssyncset.done $0x0  }
0x1b: {  	[sflag:s8] =	ssyncadd.s32 $0xFFFFFD80  }
0x1c: {  	v5 =	vimm.f32 $0.0e+00;
	v6 =	vimm.f32 $-1.000000000e+00;
	[tilespmem:s11], [sflag:$0x1] =	stream.indirect.gather [hbm4b:s0+s10], $0x80, s4, s10, $0xb8;
	[tilespmem:$0x11580] =	vst v63  }
.Ltmp2:
0x1d: {  	v7 =	vimm.f32 $0.0e+00;
	v8 =	vimm.f32 $0.0e+00;
	v9 =	vimm.f32 $0.0e+00;
	(pc) =	sbr.rel .LBB2_2-.Ltmp2, $4  }
0x1e: {  	v10 =	vimm.f32 $0.0e+00;
	v11 =	vimm.f32 $0.0e+00;
	v12 =	vimm.f32 $0.0e+00  }
0x1f: {  	v13 =	vimm.f32 $0.0e+00;
	v14 =	vimm.f32 $0.0e+00;
	v15 =	vimm.f32 $0.0e+00;
	[tilespmem:s12], [sflag:$0x2] =	stream.indirect.gather [hbm4b:s0+s10], $0x80, s10, s10, $0xb8;
	[tilespmem:$0x11580] =	vst v63  }
0x20: {  	v16 =	vimm.f32 $0.0e+00;
	v17 =	vimm.f32 $0.0e+00;
	v18 =	vimm.f32 $0.0e+00;
	s18 =	simm.s32 $0x0;
	s19 =	simm.s32 $0x0  }
0x21: {  	v19 =	vimm.f32 $0.0e+00;
	v20 =	vimm.f32 $0.0e+00;
	v21 =	vimm.f32 $0.0e+00;
	[tilespmem:s14], [sflag:$0x3] =	stream.indirect.gather [hbm4b:s0+s10], $0x80, s13, s10, $0xb8;
	[tilespmem:$0x11580] =	vst v63  }
.LBB2_9:
0x22: {  	s19 =	sadd.s32 $0x1, s19  }
0x23: {  	p0 =	sne.s32 s19, $0xA0  }
.Ltmp3:
0x24: {  	_ = 	snop;
	(pc) =	sbr.rel @!p0 .LBB2_10-.Ltmp3, $2  }
0x25: {  	_ =	sdelay $0x2  }
0x26: {  	s18 =	sadd.s32 $0x1, s18  }
.LBB2_2:
0x27: {  	s20 =	sand.u32 $0x3, s19  }
0x28: {  	p0 =	sne.s32 s20, $0x0  }
.Ltmp4:
0x29: {  	_ = 	snop;
	(pc) =	sbr.rel @!p0 .LBB2_3-.Ltmp4, $1  }
0x2a: {  	_ =	sdelay $0x3  }
0x2b: {  	p0 =	seq.s32 s20, $0x2  }
0x2c: {  	p1 =	sgt.u32 @p0 s19, $0x9C  }
0x2d: {  	s22 =	sadd.s32 $0x3, s19;
	s21 =	simm.s32 @p0 $0x3;
	p1 =	por p1, !p0  }
0x2e: {  	_ =	swait.ge @p0 [sflag:s21], $0x3400;
	s23 =	smul.u32 @!p1 $0x1A0, s22  }
0x2f: {  	[sflag:s21] =	ssyncset.done @p0 $0x0;
	s24 =	simm.s32 @!p1 $0x7500  }
0x30: {  	[sflag:s21] =	ssyncadd.s32 @p0 $0xFFFFCC00;
	s21 =	sshra.s32 @!p1 s23, $0x2;
	s23 =	simm.s32 @!p1 $0x68  }
0x31: {  	[tilespmem:s24], [sflag:$0x2] =	stream.indirect.gather @!p1 [hbm4b:s0+s23], $0x80, s21, s23, $0xb8;
	[tilespmem:$0x11580] =	vst v63  }
0x32: {  	p1 =	sne.s32 @!p0 s20, $0x1  }
0x33: {  	p2 =	por !p1, p0  }
0x34: {  	p3 =	sgt.u32 @!p2 s19, $0x9C  }
0x35: {  	s20 =	simm.s32 @!p2 $0x4;
	p3 =	por @!p0 p3, !p1  }
0x36: {  	_ =	swait.ge @!p2 [sflag:s20], $0x3400;
	p3 =	por p3, p0  }
0x37: {  	[sflag:s20] =	ssyncset.done @!p2 $0x0;
	s21 =	smul.u32 @!p3 $0x1A0, s22  }
0x38: {  	[sflag:s20] =	ssyncadd.s32 @!p2 $0xFFFFCC00;
	s23 =	simm.s32 @!p3 $0xA900  }
0x39: {  	p2 =	por p1, p0;
	s20 =	sshra.s32 @!p3 s21, $0x2;
	s21 =	simm.s32 @!p3 $0x68  }
0x3a: {  	[tilespmem:s23], [sflag:$0x3] =	stream.indirect.gather @!p3 [hbm4b:s0+s21], $0x80, s20, s21, $0xb8;
	[tilespmem:$0x11580] =	vst v63  }
0x3b: {  	p3 =	sgt.u32 @!p2 s19, $0x9C  }
0x3c: {  	s20 =	simm.s32 @!p2 $0x2;
	p1 =	por @!p0 p3, p1  }
.Ltmp5:
0x3d: {  	_ =	swait.ge @!p2 [sflag:s20], $0x3400;
	p0 =	por p1, p0;
	(pc) =	sbr.rel .LBB2_5-.Ltmp5, $4  }
0x3e: {  	[sflag:s20] =	ssyncset.done @!p2 $0x0;
	s21 =	smul.u32 @!p0 $0x1A0, s22  }
0x3f: {  	[sflag:s20] =	ssyncadd.s32 @!p2 $0xFFFFCC00  }
0x40: {  	s22 =	simm.s32 @!p0 $0x4100;
	s20 =	sshra.s32 @!p0 s21, $0x2;
	s21 =	simm.s32 @!p0 $0x68  }
0x41: {  	[tilespmem:s22], [sflag:$0x1] =	stream.indirect.gather @!p0 [hbm4b:s0+s21], $0x80, s20, s21, $0xb8;
	[tilespmem:$0x11580] =	vst v63  }
.LBB2_3:
0x42: {  	p0 =	sgt.u32 s19, $0x9C  }
0x43: {  	s20 =	smul.u32 @!p0 $0x1A0, s19  }
0x44: {  	_ =	swait.ge [sflag:s15], $0x3400  }
0x45: {  	[sflag:s15] =	ssyncset.done $0x0;
	s21 =	simm.s32 @!p0 $0x68;
	s20 =	sshra.s32 @!p0 s20, $0x2  }
0x46: {  	s22 =	simm.s32 @!p0 $0xDD00;
	[sflag:s15] =	ssyncadd.s32 $0xFFFFCC00;
	s20 =	sadd.s32 @!p0 $0x138, s20  }
0x47: {  	[tilespmem:s22], [sflag:$0x4] =	stream.indirect.gather @!p0 [hbm4b:s0+s21], $0x80, s20, s21, $0xb8;
	[tilespmem:$0x11580] =	vst v63  }
.LBB2_5:
0x48: {  	s20 =	smul.u32 $0xCD, s19;
	_ =	sdelay $0x1  }
0x49: {  	s20 =	sshrl.u32 s20, $0xA  }
0x4a: {  	s20 =	sand.u32 $0x3F, s20  }
0x4b: {  	s20 =	smul.u32 $0x5, s20;
	_ =	sdelay $0x1  }
0x4c: {  	s20 =	ssub.s32 s19, s20  }
0x4d: {  	s20 =	sand.u32 $0xFF, s20  }
0x4e: {  	s21 =	simm.f32 $0.0e+00;
	s22 =	sand.u32 $0x3, s18;
	p0 =	seq.s32 s20, $0x0  }
0x4f: {  	s22 =	smul.u32 $0xD000, s22;
	s21 =	simm.s32 @!p0 $0x3F800000  }
0x50: {  	s23 =	ssub.f32 $1.000000000e+00, s21  }
0x51: {  	s22 =	sshrl.u32 s22, $0x2;
	v4 =	vmul.f32 s21, v6  }
0x52: {  	s22 =	sadd.s32 $0x4300, s22;
	v21 =	vmul.f32 s21, v21;
	v6 =	vmov s23  }
0x53: {  	v20 =	vmul.f32 s21, v20;
	v6 =	vsub.f32 v4, v6;
	v4 =	vmov s22  }
0x54: {  	v19 =	vmul.f32 s21, v19;
	v18 =	vmul.f32 s21, v18  }
0x55: {  	v17 =	vmul.f32 s21, v17;
	v16 =	vmul.f32 s21, v16  }
0x56: {  	v15 =	vmul.f32 s21, v15;
	v14 =	vmul.f32 s21, v14;
	s21 =	simm.s32 $0x0  }
.LBB2_6:
0x57: {  	s22 =	sshra.s32 s21, $0x2  }
0x58: {  	v23 =	vld.idx.msk [tilespmem:v4+s22+$0xFFFFFE00 ss:$0x1], $0xffff  }
0x59: {  	v31 =	vld.idx.msk [tilespmem:v4+s22+$0xFFFFFE10 ss:$0x1], $0xffff;
	_ =	sdelay $0x1  }
0x5a: {  	v32 =	vld.idx.msk [tilespmem:v4+s22+$0xFFFFFE20 ss:$0x1], $0xffff  }
0x5b: {  	v33 =	vld.idx.msk [tilespmem:v4+s22+$0xFFFFFE30 ss:$0x1], $0xffff  }
0x5c: {  	v34 =	vld.idx.msk [tilespmem:v4+s22+$0xFFFFFE40 ss:$0x1], $0xffff  }
0x5d: {  	v38 =	vld.idx.msk [tilespmem:v4+s22+$0xFFFFFE80 ss:$0x1], $0xffff;
	v22 =	vmul.f32 v23, v23;
	v24 =	vmul.f32 v31, v31  }
0x5e: {  	v39 =	vld.idx.msk [tilespmem:v4+s22+$0xFFFFFE90 ss:$0x1], $0xffff  }
0x5f: {  	v35 =	vld.idx.msk [tilespmem:v4+s22+$0xFFFFFE50 ss:$0x1], $0xffff;
	v46 =	vmul.f32 v32, v32;
	v22 =	vadd.f32 v24, v22  }
0x60: {  	v40 =	vld.idx.msk [tilespmem:v4+s22+$0xFFFFFEA0 ss:$0x1], $0xffff  }
0x61: {  	v36 =	vld.idx.msk [tilespmem:v4+s22+$0xFFFFFE60 ss:$0x1], $0xffff;
	v47 =	vmul.f32 v33, v33;
	v22 =	vadd.f32 v46, v22  }
0x62: {  	v41 =	vld.idx.msk [tilespmem:v4+s22+$0xFFFFFEB0 ss:$0x1], $0xffff;
	v48 =	vmul.f32 v34, v34  }
0x63: {  	v37 =	vld.idx.msk [tilespmem:v4+s22+$0xFFFFFE70 ss:$0x1], $0xffff;
	v52 =	vmul.f32 v38, v38;
	v25 =	vmul.f32 v39, v39;
	v22 =	vadd.f32 v47, v22  }
0x64: {  	v42 =	vld.idx.msk [tilespmem:v4+s22+$0xFFFFFEC0 ss:$0x1], $0xffff;
	v49 =	vmul.f32 v35, v35  }
0x65: {  	v53 =	vmul.f32 v40, v40;
	v24 =	vadd.f32 v25, v52;
	v22 =	vadd.f32 v48, v22  }
0x66: {  	v43 =	vld.idx.msk [tilespmem:v4+s22+$0xFFFFFED0 ss:$0x1], $0xffff;
	v50 =	vmul.f32 v36, v36  }
0x67: {  	v54 =	vmul.f32 v41, v41;
	v24 =	vadd.f32 v53, v24;
	v22 =	vadd.f32 v49, v22  }
0x68: {  	v44 =	vld.idx.msk [tilespmem:v4+s22+$0xFFFFFEE0 ss:$0x1], $0xffff;
	v51 =	vmul.f32 v37, v37  }
0x69: {  	v55 =	vmul.f32 v42, v42;
	v24 =	vadd.f32 v54, v24;
	v22 =	vadd.f32 v50, v22  }
0x6a: {  	v45 =	vld.idx.msk [tilespmem:v4+s22+$0xFFFFFEF0 ss:$0x1], $0xffff  }
0x6b: {  	v27 =	vmul.f32 v43, v43;
	v25 =	vadd.f32 v55, v24;
	v22 =	vadd.f32 v51, v22;
	_ =	sdelay $0x1  }
0x6c: {  	v29 =	vmul.f32 v44, v44;
	v27 =	vadd.f32 v27, v25;
	v26 =	vperm.xlane v22, v0;
	_ =	sdelay $0x1  }
0x6d: {  	v56 =	vmul.f32 v45, v45;
	v27 =	vadd.f32 v29, v27;
	v22 =	vadd.f32 v22, v26;
	_ =	sdelay $0x1  }
0x6e: {  	v46 =	vadd.f32 v56, v27;
	v26 =	vperm.xlane v22, v1  }
0x6f: {  	v24 =	vld.idx.msk [tilespmem:v4+s22+$0xFFFFFF00 ss:$0x1], $0xffff  }
0x70: {  	v58 =	vperm.xlane v46, v0;
	v26 =	vadd.f32 v22, v26;
	v22 =	vld.idx.msk [tilespmem:v4+s22+$0xFFFFFF10 ss:$0x1], $0xffff;
	_ =	sdelay $0x1  }
0x71: {  	v25 =	vld.idx.msk [tilespmem:v4+s22+$0xFFFFFF20 ss:$0x1], $0xffff;
	v49 =	vadd.f32 v23, v21;
	v21 =	vadd.f32 v46, v58;
	v28 =	vperm.xlane v26, v2  }
0x72: {  	v20 =	vadd.f32 v31, v20  }
0x73: {  	v17 =	vadd.f32 v34, v17;
	v51 =	vperm.xlane v21, v1;
	v28 =	vadd.f32 v26, v28;
	v26 =	vld.idx.msk [tilespmem:v4+s22+$0xFFFFFF30 ss:$0x1], $0xffff  }
0x74: {  	v53 =	vadd.f32 v35, v16;
	v16 =	vld.idx.msk [tilespmem:v4+s22+$0xFFFFFFA0 ss:$0x1], $0xffff;
	v57 =	vmul.f32 v24, v24;
	v47 =	vmul.f32 v22, v22  }
0x75: {  	v15 =	vadd.f32 v36, v15;
	v27 =	vld.idx.msk [tilespmem:v4+s22+$0xFFFFFF40 ss:$0x1], $0xffff;
	v21 =	vadd.f32 v21, v51  }
0x76: {  	v29 =	vld.idx.msk [tilespmem:v4+s22+$0xFFFFFF50 ss:$0x1], $0xffff;
	v60 =	vmul.f32 v25, v25;
	v30 =	vperm.xlane v28, v3;
	v59 =	vadd.f32 v47, v57  }
0x77: {  	v50 =	vadd.f32 v33, v18;
	v18 =	vld.idx.msk [tilespmem:v4+s22+$0xFFFFFF80 ss:$0x1], $0xffff;
	v54 =	vperm.xlane v21, v2;
	v47 =	vadd.f32 v32, v19  }
0x78: {  	v19 =	vld.idx.msk [tilespmem:v4+s22+$0xFFFFFF90 ss:$0x1], $0xffff;
	v48 =	vadd.f32 v28, v30;
	v30 =	vadd.f32 v60, v59;
	v61 =	vmul.f32 v26, v26  }
0x79: {  	v20 =	vadd.f32 v39, v20;
	v17 =	vadd.f32 v42, v17;
	v28 =	vld.idx.msk [tilespmem:v4+s22+$0xFFFFFF60 ss:$0x1], $0xffff  }
0x7a: {  	v52 =	vmul.f32 v27, v27;
	v21 =	vadd.f32 v21, v54;
	v46 =	vadd.f32 v61, v30  }
0x7b: {  	v49 =	vadd.f32 v38, v49;
	v62 =	vmul.f32 v29, v29;
	v59 =	vmul.f32 v16, v16;
	v30 =	vld.idx.msk [tilespmem:v4+s22+$0xFFFFFF70 ss:$0x1], $0xffff  }
0x7c: {  	v60 =	vperm.xlane v21, v3;
	vm1 =	vgt.f32 v48, v6;
	v46 =	vadd.f32 v52, v46  }
0x7d: {  	v55 =	vsel vm1, v23, v13;
	v23 =	vmul.f32 v18, v18;
	v52 =	vadd.f32 v37, v14;
	v14 =	vld.idx.msk [tilespmem:v4+s22+$0xFFFFFFB0 ss:$0x1], $0xffff  }
0x7e: {  	v56 =	vmul.f32 v19, v19;
	v63 =	vmul.f32 v28, v28;
	v46 =	vadd.f32 v62, v46  }
0x7f: {  	v48 =	vmax.f32 v48, v6;
	v12 =	vsel vm1, v31, v12;
	v13 =	vld.idx.msk [tilespmem:v4+s22+$0xFFFFFFC0 ss:$0x1], $0xffff;
	v32 =	vsel vm1, v32, v11  }
0x80: {  	v23 =	vadd.f32 v56, v23;
	v58 =	vmul.f32 v30, v30;
	v57 =	vadd.f32 v63, v46  }
0x81: {  	v10 =	vsel vm1, v33, v10;
	v11 =	vld.idx.msk [tilespmem:v4+s22+$0xFFFFFFD0 ss:$0x1], $0xffff;
	v9 =	vsel vm1, v34, v9;
	v34 =	vsel vm1, v35, v8  }
0x82: {  	v23 =	vadd.f32 v59, v23;
	v61 =	vmul.f32 v14, v14;
	v31 =	vadd.f32 v58, v57  }
0x83: {  	v33 =	vadd.f32 v21, v60;
	v21 =	vld.idx.msk [tilespmem:v4+s22+$0xFFFFFFE0 ss:$0x1], $0xffff;
	v36 =	vsel vm1, v36, v7;
	v60 =	vadd.f32 v43, v53  }
0x84: {  	v63 =	vmul.f32 v13, v13;
	v62 =	vadd.f32 v61, v23;
	v8 =	vperm.xlane v31, v0  }
0x85: {  	v56 =	vsel vm1, v37, v5;
	vm1 =	vgt.f32 v33, v48;
	v33 =	vmax.f32 v33, v48;
	v23 =	vld.idx.msk [tilespmem:v4+s22+$0xFFFFFFF0 ss:$0x1], $0xffff  }
0x86: {  	v54 =	vmul.f32 v11, v11;
	v7 =	vadd.f32 v63, v62;
	v8 =	vadd.f32 v31, v8  }
0x87: {  	v48 =	vadd.f32 v27, v17;
	v34 =	vsel vm1, v43, v34;
	v43 =	vadd.f32 v24, v49  }
0x88: {  	v59 =	vmul.f32 v21, v21;
	v31 =	vadd.f32 v54, v7;
	v5 =	vperm.xlane v8, v1  }
0x89: {  	v39 =	vsel vm1, v39, v12;
	v32 =	vsel vm1, v40, v32;
	v43 =	vadd.f32 v18, v43;
	v7 =	vld.idx.msk [tilespmem:v4+s22+$0x0 ss:$0x1], $0xffff  }
0x8a: {  	v61 =	vmul.f32 v23, v23;
	v6 =	vadd.f32 v59, v31;
	v8 =	vadd.f32 v8, v5;
	v5 =	vld.idx.msk [tilespmem:v4+s22+$0x10 ss:$0x1], $0xffff  }
0x8b: {  	v35 =	vsel vm1, v45, v56;
	v57 =	vadd.f32 v40, v47;
	v58 =	vadd.f32 v41, v50  }
0x8c: {  	v62 =	vadd.f32 v44, v15;
	v31 =	vadd.f32 v61, v6;
	v6 =	vld.idx.msk [tilespmem:v4+s22+$0x20 ss:$0x1], $0xffff;
	v15 =	vperm.xlane v8, v2  }
0x8d: {  	v40 =	vsel vm1, v41, v10;
	v41 =	vsel vm1, v42, v9;
	v37 =	vadd.f32 v25, v57  }
0x8e: {  	v56 =	vadd.f32 v26, v58;
	v9 =	vperm.xlane v31, v0;
	v10 =	vadd.f32 v8, v15;
	v8 =	vld.idx.msk [tilespmem:v4+s22+$0x30 ss:$0x1], $0xffff  }
0x8f: {  	v58 =	vadd.f32 v29, v60;
	v12 =	vmul.f32 v7, v7;
	v15 =	vmul.f32 v5, v5  }
0x90: {  	v63 =	vadd.f32 v45, v52;
	v31 =	vadd.f32 v31, v9;
	v9 =	vld.idx.msk [tilespmem:v4+s22+$0x40 ss:$0x1], $0xffff;
	v54 =	vperm.xlane v10, v3  }
0x91: {  	v45 =	vadd.f32 v22, v20;
	v12 =	vadd.f32 v15, v12;
	v15 =	vmul.f32 v6, v6  }
0x92: {  	v36 =	vsel vm1, v44, v36;
	v37 =	vadd.f32 v16, v37;
	v42 =	vadd.f32 v10, v54;
	v10 =	vld.idx.msk [tilespmem:v4+s22+$0x50 ss:$0x1], $0xffff  }
0x93: {  	v17 =	vld.idx.msk [tilespmem:v4+s22+$0x80 ss:$0x1], $0xffff;
	v44 =	vadd.f32 v14, v56;
	v15 =	vadd.f32 v15, v12;
	v20 =	vmul.f32 v8, v8  }
0x94: {  	v38 =	vsel vm1, v38, v55;
	v47 =	vadd.f32 v28, v62;
	v51 =	vadd.f32 v30, v63;
	v12 =	vld.idx.msk [tilespmem:v4+s22+$0x60 ss:$0x1], $0xffff  }
0x95: {  	v45 =	vadd.f32 v19, v45;
	v57 =	vmul.f32 v9, v9;
	v20 =	vadd.f32 v20, v15  }
0x96: {  	v47 =	vadd.f32 v21, v47;
	v51 =	vadd.f32 v23, v51;
	v55 =	vperm.xlane v31, v1;
	v15 =	vld.idx.msk [tilespmem:v4+s22+$0x70 ss:$0x1], $0xffff  }
0x97: {  	v43 =	vadd.f32 v7, v43;
	v46 =	vadd.f32 v57, v20;
	v60 =	vmul.f32 v10, v10  }
0x98: {  	v53 =	vmul.f32 v17, v17;
	v45 =	vadd.f32 v5, v45;
	v31 =	vadd.f32 v31, v55;
	v20 =	vld.idx.msk [tilespmem:v4+s22+$0x90 ss:$0x1], $0xffff  }
0x99: {  	vm1 =	vgt.f32 v42, v33;
	v62 =	vmul.f32 v12, v12;
	v61 =	vadd.f32 v60, v46  }
0x9a: {  	v33 =	vmax.f32 v42, v33;
	v42 =	vadd.f32 v13, v48;
	v39 =	vsel vm1, v22, v39;
	v22 =	vld.idx.msk [tilespmem:v4+s22+$0xA0 ss:$0x1], $0xffff  }
0x9b: {  	v59 =	vperm.xlane v31, v2;
	v52 =	vmul.f32 v15, v15;
	v50 =	vadd.f32 v62, v61  }
0x9c: {  	v38 =	vsel vm1, v24, v38;
	v32 =	vsel vm1, v25, v32;
	v40 =	vsel vm1, v26, v40;
	v24 =	vld.idx.msk [tilespmem:v4+s22+$0xB0 ss:$0x1], $0xffff  }
0x9d: {  	v41 =	vsel vm1, v27, v41;
	v25 =	vld.idx.msk [tilespmem:v4+s22+$0xC0 ss:$0x1], $0xffff;
	v54 =	vmul.f32 v20, v20;
	v26 =	vadd.f32 v52, v50  }
0x9e: {  	v34 =	vsel vm1, v29, v34;
	v36 =	vsel vm1, v28, v36;
	v28 =	vld.idx.msk [tilespmem:v4+s22+$0xD0 ss:$0x1], $0xffff;
	v31 =	vadd.f32 v31, v59  }
0x9f: {  	v29 =	vld.idx.msk [tilespmem:v4+s22+$0xE0 ss:$0x1], $0xffff;
	v55 =	vmul.f32 v22, v22;
	v27 =	vadd.f32 v54, v53;
	v46 =	vperm.xlane v26, v0  }
0xa0: {  	v48 =	vadd.f32 v11, v58;
	v42 =	vadd.f32 v9, v42;
	v63 =	vperm.xlane v31, v3  }
0xa1: {  	v57 =	vmul.f32 v24, v24;
	v52 =	vld.idx.msk [tilespmem:v4+s22+$0xF0 ss:$0x1], $0xffff;
	v27 =	vadd.f32 v55, v27;
	v56 =	vadd.f32 v26, v46  }
0xa2: {  	v35 =	vsel vm1, v30, v35;
	v47 =	vadd.f32 v12, v47;
	v31 =	vadd.f32 v31, v63;
	v26 =	vld.idx.msk [tilespmem:v4+s22+$0x100 ss:$0x1], $0xffff  }
0xa3: {  	v59 =	vmul.f32 v25, v25;
	v46 =	vadd.f32 v57, v27;
	v27 =	vld.idx.msk [tilespmem:v4+s22+$0x110 ss:$0x1], $0xffff;
	v58 =	vperm.xlane v56, v1  }
0xa4: {  	v60 =	vmul.f32 v28, v28;
	v63 =	vmul.f32 v29, v29;
	vm1 =	vgt.f32 v31, v33;
	v50 =	vld.idx.msk [tilespmem:v4+s22+$0x120 ss:$0x1], $0xffff  }
0xa5: {  	v14 =	vsel vm1, v14, v40;
	v40 =	vld.idx.msk [tilespmem:v4+s22+$0x140 ss:$0x1], $0xffff;
	v46 =	vadd.f32 v59, v46;
	v30 =	vadd.f32 v56, v58  }
0xa6: {  	v18 =	vsel vm1, v18, v38;
	v19 =	vsel vm1, v19, v39;
	v41 =	vsel vm1, v13, v41;
	v13 =	vld.idx.msk [tilespmem:v4+s22+$0x180 ss:$0x1], $0xffff  }
0xa7: {  	v16 =	vsel vm1, v16, v32;
	v62 =	vadd.f32 v60, v46;
	v46 =	vld.idx.msk [tilespmem:v4+s22+$0x130 ss:$0x1], $0xffff;
	v61 =	vperm.xlane v30, v2  }
0xa8: {  	v21 =	vsel vm1, v21, v36;
	v39 =	vld.idx.msk [tilespmem:v4+s22+$0x1C0 ss:$0x1], $0xffff;
	v56 =	vmul.f32 v26, v26;
	v57 =	vmul.f32 v27, v27  }
0xa9: {  	v36 =	vld.idx.msk [tilespmem:v4+s22+$0x150 ss:$0x1], $0xffff;
	v58 =	vmul.f32 v52, v52;
	v38 =	vadd.f32 v63, v62;
	v32 =	vadd.f32 v30, v61  }
0xaa: {  	v31 =	vmax.f32 v31, v33;
	v59 =	vmul.f32 v50, v50;
	v49 =	vadd.f32 v57, v56;
	v30 =	vld.idx.msk [tilespmem:v4+s22+$0x190 ss:$0x1], $0xffff  }
0xab: {  	v11 =	vsel vm1, v11, v34;
	v53 =	vld.idx.msk [tilespmem:v4+s22+$0x1A0 ss:$0x1], $0xffff;
	v38 =	vadd.f32 v58, v38;
	v60 =	vperm.xlane v32, v3  }
0xac: {  	v33 =	vld.idx.msk [tilespmem:v4+s22+$0x160 ss:$0x1], $0xffff;
	v23 =	vsel vm1, v23, v35;
	v61 =	vadd.f32 v59, v49;
	v62 =	vmul.f32 v46, v46  }
0xad: {  	v59 =	vmul.f32 v39, v39;
	v34 =	vperm.xlane v38, v0;
	v32 =	vadd.f32 v32, v60  }
0xae: {  	v49 =	vld.idx.msk [tilespmem:v4+s22+$0x1B0 ss:$0x1], $0xffff;
	v63 =	vadd.f32 v62, v61;
	v60 =	vmul.f32 v40, v40;
	v61 =	vmul.f32 v13, v13  }
0xaf: {  	v62 =	vmul.f32 v30, v30;
	v34 =	vadd.f32 v38, v34;
	vm1 =	vgt.f32 v32, v31  }
0xb0: {  	v54 =	vld.idx.msk [tilespmem:v4+s22+$0x170 ss:$0x1], $0xffff;
	v35 =	vadd.f32 v60, v63;
	v63 =	vmul.f32 v36, v36;
	v60 =	vmul.f32 v53, v53  }
0xb1: {  	v55 =	vadd.f32 v62, v61;
	v57 =	vperm.xlane v34, v1;
	v61 =	vmul.f32 v33, v33  }
0xb2: {  	v58 =	vld.idx.msk [tilespmem:v4+s22+$0x1D0 ss:$0x1], $0xffff;
	v7 =	vsel vm1, v7, v18;
	v5 =	vsel vm1, v5, v19;
	v19 =	vadd.f32 v6, v37  }
0xb3: {  	v62 =	vmul.f32 v49, v49;
	v35 =	vadd.f32 v63, v35;
	v18 =	vadd.f32 v60, v55  }
0xb4: {  	v56 =	vld.idx.msk [tilespmem:v4+s22+$0x1E0 ss:$0x1], $0xffff;
	v6 =	vsel vm1, v6, v16;
	v9 =	vsel vm1, v9, v41;
	v12 =	vsel vm1, v12, v21  }
0xb5: {  	v63 =	vmul.f32 v54, v54;
	v35 =	vadd.f32 v61, v35;
	v18 =	vadd.f32 v62, v18  }
0xb6: {  	v37 =	vld.idx.msk [tilespmem:v4+s22+$0x1F0 ss:$0x1], $0xffff;
	v34 =	vadd.f32 v34, v57;
	v60 =	vadd.f32 v8, v44;
	v8 =	vsel vm1, v8, v14  }
0xb7: {  	v61 =	vmul.f32 v58, v58;
	v35 =	vadd.f32 v63, v35;
	v18 =	vadd.f32 v59, v18  }
0xb8: {  	v44 =	vadd.f32 v10, v48;
	v55 =	vadd.f32 v20, v45;
	v14 =	vperm.xlane v34, v2  }
0xb9: {  	v62 =	vmul.f32 v56, v56;
	v16 =	vperm.xlane v35, v0;
	v18 =	vadd.f32 v61, v18  }
0xba: {  	v10 =	vsel vm1, v10, v11;
	v19 =	vadd.f32 v22, v19;
	v14 =	vadd.f32 v34, v14  }
0xbb: {  	v63 =	vmul.f32 v37, v37;
	v16 =	vadd.f32 v35, v16;
	v18 =	vadd.f32 v62, v18  }
0xbc: {  	v57 =	vadd.f32 v28, v44;
	v19 =	vadd.f32 v50, v19;
	v11 =	vperm.xlane v14, v3  }
0xbd: {  	v59 =	vadd.f32 v29, v47;
	v48 =	vperm.xlane v16, v1;
	v18 =	vadd.f32 v63, v18  }
0xbe: {  	v21 =	vmax.f32 v32, v31;
	v19 =	vadd.f32 v53, v19;
	v11 =	vadd.f32 v14, v11  }
0xbf: {  	v14 =	vadd.f32 v15, v51;
	v16 =	vadd.f32 v16, v48;
	v51 =	vperm.xlane v18, v0  }
0xc0: {  	v15 =	vsel vm1, v15, v23;
	v23 =	vadd.f32 v17, v43;
	vm1 =	vgt.f32 v11, v21  }
0xc1: {  	v7 =	vsel vm1, v17, v7;
	v17 =	vadd.f32 v18, v51;
	v18 =	vperm.xlane v16, v2  }
0xc2: {  	v14 =	vadd.f32 v52, v14;
	v11 =	vmax.f32 v11, v21;
	v5 =	vsel vm1, v20, v5  }
0xc3: {  	v6 =	vsel vm1, v22, v6;
	v16 =	vadd.f32 v16, v18;
	v18 =	vperm.xlane v17, v1  }
0xc4: {  	v20 =	vadd.f32 v24, v60;
	v8 =	vsel vm1, v24, v8;
	v22 =	vadd.f32 v25, v42  }
0xc5: {  	v9 =	vsel vm1, v25, v9;
	v17 =	vadd.f32 v17, v18;
	v18 =	vperm.xlane v16, v3  }
0xc6: {  	v10 =	vsel vm1, v28, v10;
	v12 =	vsel vm1, v29, v12;
	v24 =	vadd.f32 v36, v57  }
0xc7: {  	v14 =	vadd.f32 v54, v14;
	v16 =	vadd.f32 v16, v18;
	v18 =	vperm.xlane v17, v2  }
0xc8: {  	v15 =	vsel vm1, v52, v15;
	v60 =	vadd.f32 v46, v20;
	v22 =	vadd.f32 v40, v22  }
0xc9: {  	v14 =	vadd.f32 v37, v14;
	v17 =	vadd.f32 v17, v18;
	vm1 =	vgt.f32 v16, v11  }
0xca: {  	v18 =	vadd.f32 v26, v23;
	v23 =	vadd.f32 v27, v55;
	v63 =	vmax.f32 v16, v11  }
0xcb: {  	v16 =	vadd.f32 v58, v24;
	v7 =	vsel vm1, v26, v7;
	v5 =	vsel vm1, v27, v5  }
0xcc: {  	v6 =	vsel vm1, v50, v6;
	v8 =	vsel vm1, v46, v8;
	v21 =	vperm.xlane v17, v3  }
0xcd: {  	v9 =	vsel vm1, v40, v9;
	v28 =	vsel vm1, v36, v10;
	v10 =	vadd.f32 v33, v59  }
0xce: {  	p0 =	sne.s32 s21, $0xC000;
	v62 =	vsel vm1, v33, v12;
	v20 =	vadd.f32 v30, v23;
	v61 =	vadd.f32 v17, v21  }
.Ltmp6:
0xcf: {  	v23 =	vsel vm1, v54, v15;
	v15 =	vadd.f32 v56, v10;
	v21 =	vadd.f32 v13, v18;
	(pc) =	sbr.rel @p0 .LBB2_6-.Ltmp6, $4  }
0xd0: {  	v18 =	vadd.f32 v49, v60;
	v17 =	vadd.f32 v39, v22;
	vm1 =	vgt.f32 v61, v63  }
0xd1: {  	v13 =	vsel vm1, v13, v7;
	v12 =	vsel vm1, v30, v5;
	v11 =	vsel vm1, v53, v6  }
0xd2: {  	v10 =	vsel vm1, v49, v8;
	v9 =	vsel vm1, v39, v9;
	v8 =	vsel vm1, v58, v28  }
0xd3: {  	s21 =	sadd.s32 $0x1000, s21;
	v7 =	vsel vm1, v56, v62;
	v5 =	vsel vm1, v37, v23;
	v6 =	vmax.f32 v61, v63  }
0xd4: {  	p0 =	sne.s32 s20, $0x4  }
.Ltmp7:
0xd5: {  	_ = 	snop;
	(pc) =	sbr.rel @p0 .LBB2_9-.Ltmp7, $1  }
0xd6: {  	_ =	sdelay $0x3  }
0xd7: {  	v4 =	vld [tilespmem:$0x11300]  }
0xd8: {  	v22 =	vld [tilespmem:$0x11400]  }
0xd9: {  	v23 =	vld [tilespmem:$0x11410]  }
0xda: {  	v24 =	vld [tilespmem:$0x11310]  }
0xdb: {  	v25 =	vld [tilespmem:$0x11420]  }
0xdc: {  	v26 =	vld [tilespmem:$0x11320]  }
0xdd: {  	v27 =	vld [tilespmem:$0x11430]  }
0xde: {  	v28 =	vld [tilespmem:$0x11330];
	v22 =	vmul.f32 v22, v21;
	v23 =	vmul.f32 v23, v20  }
0xdf: {  	v29 =	vld [tilespmem:$0x11440];
	v4 =	vmul.f32 v4, v21;
	v24 =	vmul.f32 v24, v20  }
0xe0: {  	v25 =	vmul.f32 v25, v19;
	v22 =	vadd.f32 v23, v22;
	v23 =	vld [tilespmem:$0x11340]  }
0xe1: {  	v37 =	vld [tilespmem:$0x11450];
	v36 =	vmul.f32 v26, v19;
	v4 =	vadd.f32 v24, v4  }
0xe2: {  	v38 =	vld [tilespmem:$0x11350];
	v27 =	vmul.f32 v27, v18;
	v22 =	vadd.f32 v25, v22  }
0xe3: {  	v40 =	vld [tilespmem:$0x11460];
	v39 =	vmul.f32 v28, v18;
	v4 =	vadd.f32 v36, v4  }
0xe4: {  	v41 =	vld [tilespmem:$0x11360];
	v29 =	vmul.f32 v29, v17;
	v22 =	vadd.f32 v27, v22  }
0xe5: {  	v42 =	vld [tilespmem:$0x11470];
	v4 =	vadd.f32 v39, v4;
	v23 =	vmul.f32 v23, v17  }
0xe6: {  	v43 =	vld [tilespmem:$0x11370];
	v26 =	vmul.f32 v37, v16;
	v22 =	vadd.f32 v29, v22  }
0xe7: {  	v44 =	vld [tilespmem:$0x11480];
	v4 =	vadd.f32 v23, v4;
	v23 =	vmul.f32 v38, v16  }
0xe8: {  	v45 =	vld [tilespmem:$0x11380];
	v28 =	vmul.f32 v40, v15;
	v22 =	vadd.f32 v26, v22  }
0xe9: {  	v46 =	vld [tilespmem:$0x11490];
	v4 =	vadd.f32 v23, v4;
	v23 =	vmul.f32 v41, v15  }
0xea: {  	v47 =	vld [tilespmem:$0x11390];
	v24 =	vmul.f32 v42, v14;
	v22 =	vadd.f32 v28, v22  }
0xeb: {  	v48 =	vld [tilespmem:$0x114A0];
	v4 =	vadd.f32 v23, v4;
	v23 =	vmul.f32 v43, v14  }
0xec: {  	v49 =	vld [tilespmem:$0x113A0];
	v25 =	vmul.f32 v44, v13;
	v22 =	vadd.f32 v24, v22  }
0xed: {  	v50 =	vld [tilespmem:$0x114B0];
	v4 =	vadd.f32 v23, v4;
	v23 =	vmul.f32 v45, v13  }
0xee: {  	v51 =	vld [tilespmem:$0x113B0];
	v27 =	vmul.f32 v46, v12;
	v22 =	vadd.f32 v25, v22  }
0xef: {  	v52 =	vld [tilespmem:$0x114C0];
	v4 =	vadd.f32 v23, v4;
	v23 =	vmul.f32 v47, v12  }
0xf0: {  	v53 =	vld [tilespmem:$0x113C0];
	v29 =	vmul.f32 v48, v11;
	v22 =	vadd.f32 v27, v22  }
0xf1: {  	v54 =	vld [tilespmem:$0x114D0];
	v4 =	vadd.f32 v23, v4;
	v23 =	vmul.f32 v49, v11  }
0xf2: {  	v55 =	vld [tilespmem:$0x113D0];
	v26 =	vmul.f32 v50, v10;
	v22 =	vadd.f32 v29, v22  }
0xf3: {  	v56 =	vld [tilespmem:$0x114E0];
	v4 =	vadd.f32 v23, v4;
	v23 =	vmul.f32 v51, v10  }
0xf4: {  	v57 =	vld [tilespmem:$0x113E0];
	v28 =	vmul.f32 v52, v9;
	v22 =	vadd.f32 v26, v22  }
0xf5: {  	v58 =	vld [tilespmem:$0x114F0];
	v4 =	vadd.f32 v23, v4;
	v23 =	vmul.f32 v53, v9  }
0xf6: {  	v59 =	vld [tilespmem:$0x113F0];
	v24 =	vmul.f32 v54, v8;
	v22 =	vadd.f32 v28, v22  }
0xf7: {  	v4 =	vadd.f32 v23, v4;
	v23 =	vmul.f32 v55, v8  }
0xf8: {  	v60 =	vmul.f32 v56, v7;
	v22 =	vadd.f32 v24, v22  }
0xf9: {  	v4 =	vadd.f32 v23, v4;
	v23 =	vmul.f32 v57, v7  }
0xfa: {  	v61 =	vmul.f32 v58, v5;
	v22 =	vadd.f32 v60, v22  }
0xfb: {  	v4 =	vadd.f32 v23, v4;
	v23 =	vmul.f32 v59, v5  }
0xfc: {  	v22 =	vadd.f32 v61, v22  }
0xfd: {  	v4 =	vadd.f32 v23, v4  }
0xfe: {  	v23 =	vperm.xlane v22, v0  }
0xff: {  	v62 =	vperm.xlane v4, v0  }
0x100: {  	v22 =	vadd.f32 v22, v23  }
0x101: {  	v4 =	vadd.f32 v4, v62  }
0x102: {  	v23 =	vperm.xlane v22, v1  }
0x103: {  	v24 =	vperm.xlane v4, v1  }
0x104: {  	v22 =	vadd.f32 v22, v23  }
0x105: {  	v4 =	vadd.f32 v4, v24  }
0x106: {  	v23 =	vperm.xlane v22, v2  }
0x107: {  	v24 =	vperm.xlane v4, v2  }
0x108: {  	v22 =	vadd.f32 v22, v23  }
0x109: {  	v4 =	vadd.f32 v4, v24  }
0x10a: {  	v23 =	vperm.xlane v22, v3  }
0x10b: {  	v63 =	vld [tilespmem:$0x11500];
	v24 =	vperm.xlane v4, v3  }
0x10c: {  	v22 =	vadd.f32 v22, v23  }
0x10d: {  	s20 =	smulhi.u32 $0xCCCCCCCD, s19;
	v4 =	vadd.f32 v4, v24  }
.Ltmp8:
0x10e: {  	vm1 =	vmmov $0x1;
	v22 =	vsel vm0, $0x0, v22;
	(pc) =	sbr.rel .LBB2_9-.Ltmp8, $4  }
0x10f: {  	v4 =	vsel vm1, v4, v22  }
0x110: {  	s20 =	sshll.u32 s20, $0x2;
	v4 =	vadd.f32 v4, v63  }
0x111: {  	s20 =	sand.u32 $0x3FFFFFF0, s20  }
0x112: {  	[tilespmem:s20+$0x11100] =	vst v4  }
.LBB2_11:
0x113: {  	_ =	sfence.sel $0x180000  }
0x114: {  	[bflag:$0x0] =	sbarrier.arrive $0xFFFF  }
0x115: {  	p0 =	sne.s32 s1, $0x0;
	_ =	strace $0x90000047  }
0x116: {  	s0 =	sadd.s32 @!p0 $0x100000, s2;
	[bflag:$0x2] =	sbarrier.arrive $0xFFFF  }
0x117: {  	[sflag:s0] =	ssyncadd.tile.s32 @!p0 $0x1;
	_ =	shalt  }
.Lfunc_end2:
_tile_overlayer_lowered:
.L_overlay_start_2:
0x118: {  	(tag) =	ssettag $0x2  }
0x119: {  	s0 =	rddreg [dreg:$0x0];
	s2 =	stileid.u32  }
0x11a: {  	s1 =	rddreg [dreg:$0x1];
	p0 =	sne.s32 s2, $0x0  }
0x11b: {  	s3 =	rddreg [dreg:$0x2];
	[bflag:$0x3] =	sbarrier.arrive $0xFFFF;
	s2 =	simm.s32 @!p0 $0x1C05  }
0x11c: {  	[timem:s3], [sflag:s2] =	dma.local @!p0 [hbm:s0], s1  }
0x11d: {  	s0 =	simm.s32 @!p0 $0x5  }
0x11e: {  	_ =	swait.ge @!p0 [sflag:s0], s1  }
0x11f: {  	s1 =	ssub.s32 @!p0 $0x0, s1;
	[sflag:s0] =	ssyncset.done @!p0 $0x0  }
0x120: {  	[sflag:s0] =	ssyncadd.s32 @!p0 s1  }
0x121: {  	[bflag:$0x3] =	sbarrier.arrive $0xFFFF  }
0x122: {  	_ =	shalt  }

</sc_bundles>
